<compile_context>
chip_gen: v7x
topology: tpu7x:2x2x1
jax: 0.10.2.dev20260603
libtpu: 0.0.44.dev20260713+nightly
codegen_flags: <defaults>
</compile_context>

<pallas_src>
import functools

import jax
import jax.numpy as jnp
from jax import lax
from jax.experimental import pallas as pl
from jax.experimental.pallas import tpu as pltpu
from jax.experimental.pallas import tpu_sc as plsc

NC = 2
NS = 16
NW = NC * NS
L = 16

_RMAGIC = 12582912.0


def _sc_occupancy(coords_t, nl, scale, shift):
    total = coords_t.shape[0] // 3
    chunk = total // NW
    steps = chunk // L

    mesh = plsc.VectorSubcoreMesh(core_axis_name="c", subcore_axis_name="s")

    blk = nl + 16

    @functools.partial(
        pl.kernel,
        out_type=jax.ShapeDtypeStruct((3 * NW * nl,), jnp.float32),
        mesh=mesh,
        compiler_params=pltpu.CompilerParams(needs_layout_passes=False),
        scratch_types=[
            pltpu.VMEM((3 * chunk,), jnp.float32),
            pltpu.VMEM((3 * blk,), jnp.float32),
            pltpu.SemaphoreType.DMA,
        ],
    )
    def occ_kernel(coords_hbm, pocc_hbm, cbuf, occ, sem):
        wid = lax.axis_index("s") * NC + lax.axis_index("c")
        base = wid * chunk
        copies = []
        for a in range(3):
            copies.append(
                pltpu.async_copy(coords_hbm.at[pl.ds(a * total + base, chunk)],
                                 cbuf.at[pl.ds(a * chunk, chunk)], sem))

        zero16 = jnp.zeros((L,), jnp.float32)

        @plsc.parallel_loop(0, 3 * blk // L, 1, unroll=16)
        def zstep(i):
            occ[pl.ds(i * L, L)] = zero16

        ones16 = jnp.ones((L,), jnp.float32)
        for a in range(3):
            copies[a].wait()

            @plsc.parallel_loop(0, steps, 1, unroll=16)
            def step(i, _a=a, _base=a * blk + 8):
                x = cbuf[pl.ds(_a * chunk + i * L, L)]
                v = (x + shift) * scale
                vr = (v + _RMAGIC) - _RMAGIC
                vc = jnp.minimum(jnp.maximum(vr, -1.0), float(nl))
                idx = vc.astype(jnp.int32) + _base
                plsc.store_scatter(occ, [idx], ones16)

        for a in range(3):
            pltpu.sync_copy(occ.at[pl.ds(a * blk + 8, nl)],
                            pocc_hbm.at[pl.ds((a * NW + wid) * nl, nl)])

    return occ_kernel(coords_t).reshape(3 * NW, nl)


def _tc_mlp(occ_cols, lines0, lines1, lines2, w1t, b1r, w2t, b2r, n_coords,
            s1, s2):
    nl = lines0.shape[0]
    n_blocks = n_coords // nl

    def body(occ_ref, l0_ref, l1_ref, l2_ref, w1t_ref, b1_ref, w2t_ref,
             b2_ref, out_ref, const_ref):
        hid0 = jnp.maximum(b1_ref[...], 0.0)
        const_ref[...] = jnp.dot(hid0, w2t_ref[...],
                                 preferred_element_type=jnp.float32) + b2_ref[...]

        ones_w = jnp.ones((NW, 1), jnp.float32)
        dn = (((0,), (0,)), ((), ()))

        def colsum(rows):
            return lax.dot_general(rows, ones_w, dn,
                                   preferred_element_type=jnp.float32)

        occ = occ_ref[...]
        ox = jnp.minimum(colsum(occ[0:NW]), 1.0)
        oy = jnp.minimum(colsum(occ[NW:2 * NW]), 1.0)
        oz = jnp.minimum(colsum(occ[2 * NW:3 * NW]), 1.0)
        a = l0_ref[...] * ox
        b = l1_ref[...] * oy
        c = l2_ref[...] * oz
        ab = a * b
        h = a + b + c + (ab + (a + b) * c) * s1 + ab * c * s2
        hidden = jnp.maximum(
            jnp.dot(h, w1t_ref[...], preferred_element_type=jnp.float32)
            + b1_ref[...], 0.0)
        out_ref[...] = (jnp.dot(hidden, w2t_ref[...],
                                preferred_element_type=jnp.float32)
                        + b2_ref[...])

    out_main, const = pl.pallas_call(
        body,
        out_shape=[jax.ShapeDtypeStruct((nl, 1), jnp.float32),
                   jax.ShapeDtypeStruct((1, 1), jnp.float32)],
    )(occ_cols, lines0, lines1, lines2, w1t, b1r, w2t, b2r)
    tail = jnp.broadcast_to(const, (n_coords - nl, 1))
    return jnp.concatenate([out_main, tail], axis=0)


def kernel(coordinates, lines0, lines1, lines2, W1, b1, W2, b2):
    batch, n_coords, _ = coordinates.shape
    nl, cl = lines0.shape
    total = batch * n_coords
    d = 4.0
    rng = 0.4

    coords_t = coordinates.reshape(total, 3).T.reshape(-1)
    occ_rows = _sc_occupancy(coords_t, nl, nl / d, d / 2.0)

    return _tc_mlp(occ_rows, lines0, lines1, lines2,
                   W1.T, b1.reshape(1, -1), W2.T, b2.reshape(1, -1),
                   n_coords, 1.0 / rng, 1.0 / rng ** 2)

# --- scband reference (transcript-rebuilt; emitter-appended) ---
"""Pipeline reference for scband-rank-one-planes-new-89240830476841 (READ-ONLY COPY).

The authoritative reference and input builder live on the scoring server;
editing this copy changes nothing except your own understanding.
"""

import jax, jax.numpy as jnp
import numpy as np

Nl = 8192
Cl = 64
RANGE = 0.4
SHIFT = 0.1
HID = 128
OUT = 1


def setup_inputs(seed: int = 0) -> dict:
    key = jax.random.key(seed)
    ks = jax.random.split(key, 8)
    coordinates = jax.random.normal(ks[0], (4, 131072, 3), dtype=jnp.float32)
    lines0 = jax.random.uniform(ks[1], (Nl, Cl), dtype=jnp.float32) * RANGE + SHIFT
    lines1 = jax.random.uniform(ks[2], (Nl, Cl), dtype=jnp.float32) * RANGE + SHIFT
    lines2 = jax.random.uniform(ks[3], (Nl, Cl), dtype=jnp.float32) * RANGE + SHIFT
    W1 = jax.random.normal(ks[4], (HID, Cl), dtype=jnp.float32) * (1.0 / np.sqrt(Cl))
    b1 = jnp.zeros((HID,), dtype=jnp.float32)
    W2 = jax.random.normal(ks[5], (OUT, HID), dtype=jnp.float32) * (1.0 / np.sqrt(HID))
    b2 = jnp.zeros((OUT,), dtype=jnp.float32)
    return {"coordinates": coordinates, "lines0": lines0, "lines1": lines1,
            "lines2": lines2, "W1": W1, "b1": b1, "W2": W2, "b2": b2}


def _embed(line, idx, n_coords):
    # Faithful to torch: x_embed = zeros(n_coords, Cl); x_embed[idx_valid] = line[idx_valid]
    # (gather from line then scatter-overwrite into the memory buffer; invalid indices dropped)
    mask = jnp.logical_and(idx >= 0, idx < Nl)
    gidx = jnp.where(mask, idx, 0)
    vals = line[gidx]
    sidx = jnp.where(mask, idx, n_coords)  # out-of-range sentinel -> dropped
    buf = jnp.zeros((n_coords, line.shape[1]), dtype=line.dtype)
    return buf.at[sidx].set(vals, mode='drop')


def reference(coordinates, lines0, lines1, lines2, W1, b1, W2, b2):
    batch_size, n_coords, _ = coordinates.shape
    D = 4.0
    xcoord = coordinates[..., 0]
    ycoord = coordinates[..., 1]
    zcoord = coordinates[..., 2]
    k = jnp.round((xcoord + D / 2) * Nl / D).astype(jnp.int32).reshape(-1)
    l = jnp.round((ycoord + D / 2) * Nl / D).astype(jnp.int32).reshape(-1)
    m = jnp.round((zcoord + D / 2) * Nl / D).astype(jnp.int32).reshape(-1)
    x_embed = _embed(lines0, k, n_coords)
    y_embed = _embed(lines1, l, n_coords)
    z_embed = _embed(lines2, m, n_coords)
    features = x_embed + y_embed + z_embed
    features2 = (x_embed * y_embed + x_embed * z_embed + y_embed * z_embed) * (1.0 / RANGE)
    features3 = x_embed * y_embed * z_embed * (1.0 / RANGE ** 2)
    h = features + features2 + features3
    hidden = jnp.maximum(h @ W1.T + b1, 0.0)
    return hidden @ W2.T + b2

if __name__ == "__main__":
    import jax
    _d = setup_inputs()
    print(jax.jit(kernel)(*tuple(_d.values())))

</pallas_src>

<mosaic_0001>
#map = affine_map<(d0, d1) -> (0)>
module attributes {stable_mosaic.version = 14 : i64} {
  func.func @occ_kernel(%arg0: i32, %arg1: i32, %arg2: memref<1572864xf32, #tpu.memory_space<hbm>>, %arg3: memref<786432xf32, #tpu.memory_space<hbm>>, %arg4: memref<49152xf32, #tpu.memory_space<vmem>>, %arg5: memref<24624xf32, #tpu.memory_space<vmem>>, %arg6: memref<!tpu.dma_semaphore, #tpu.memory_space<semaphore_mem>>) attributes {dimension_semantics = [#tpu.dimension_semantics<core_parallel>, #tpu.dimension_semantics<subcore_parallel>], iteration_bounds = array<i64: 2, 16>, scalar_prefetch = 0 : i64, scratch_operands = 3 : i64, tpu.core_type = #tpu.core_type<sc_vector_subcore>, window_params = [{transform_indices = #map}, {transform_indices = #map}]} {
    %mul3A = arith.constant 2 : i32
    %mul3A_0 = arith.muli %arg1, %mul3A : i32
    %add3A = arith.addi %mul3A_0, %arg0 : i32
    %mul3A_1 = arith.constant 16384 : i32
    %mul3A_2 = arith.muli %add3A, %mul3A_1 : i32
    %add3A_3 = arith.constant 0 : i32
    %add3A_4 = arith.addi %add3A_3, %mul3A_2 : i32
    %dma_start3A = arith.constant 0 : i32
    %dma_start3A_5 = tpu.memref_slice %arg4[%dma_start3A] : memref<49152xf32, #tpu.memory_space<vmem>> -> memref<16384xf32, #tpu.memory_space<vmem>>
    %dma_start3A_6 = tpu.memref_slice %arg2[%add3A_4] : memref<1572864xf32, #tpu.memory_space<hbm>> -> memref<16384xf32, #tpu.memory_space<hbm>>
    %dma_start3A_7 = arith.constant 0 : i32
    %dma_start3A_8 = tpu.memref_slice %arg4[%dma_start3A_7] : memref<49152xf32, #tpu.memory_space<vmem>> -> memref<16384xf32, #tpu.memory_space<vmem>>
    %dma_start3A_9 = tpu.memref_slice %arg2[%add3A_4] : memref<1572864xf32, #tpu.memory_space<hbm>> -> memref<16384xf32, #tpu.memory_space<hbm>>
    tpu.enqueue_dma source(%dma_start3A_9 : memref<16384xf32, #tpu.memory_space<hbm>>) target(%dma_start3A_8 : memref<16384xf32, #tpu.memory_space<vmem>>) target_semaphore(%arg6 : memref<!tpu.dma_semaphore, #tpu.memory_space<semaphore_mem>>)
    %add3A_10 = arith.constant 524288 : i32
    %add3A_11 = arith.addi %add3A_10, %mul3A_2 : i32
    %dma_start3A_12 = arith.constant 16384 : i32
    %dma_start3A_13 = tpu.memref_slice %arg4[%dma_start3A_12] : memref<49152xf32, #tpu.memory_space<vmem>> -> memref<16384xf32, #tpu.memory_space<vmem>>
    %dma_start3A_14 = tpu.memref_slice %arg2[%add3A_11] : memref<1572864xf32, #tpu.memory_space<hbm>> -> memref<16384xf32, #tpu.memory_space<hbm>>
    %dma_start3A_15 = arith.constant 16384 : i32
    %dma_start3A_16 = tpu.memref_slice %arg4[%dma_start3A_15] : memref<49152xf32, #tpu.memory_space<vmem>> -> memref<16384xf32, #tpu.memory_space<vmem>>
    %dma_start3A_17 = tpu.memref_slice %arg2[%add3A_11] : memref<1572864xf32, #tpu.memory_space<hbm>> -> memref<16384xf32, #tpu.memory_space<hbm>>
    tpu.enqueue_dma source(%dma_start3A_17 : memref<16384xf32, #tpu.memory_space<hbm>>) target(%dma_start3A_16 : memref<16384xf32, #tpu.memory_space<vmem>>) target_semaphore(%arg6 : memref<!tpu.dma_semaphore, #tpu.memory_space<semaphore_mem>>)
    %add3A_18 = arith.constant 1048576 : i32
    %add3A_19 = arith.addi %add3A_18, %mul3A_2 : i32
    %dma_start3A_20 = arith.constant 32768 : i32
    %dma_start3A_21 = tpu.memref_slice %arg4[%dma_start3A_20] : memref<49152xf32, #tpu.memory_space<vmem>> -> memref<16384xf32, #tpu.memory_space<vmem>>
    %dma_start3A_22 = tpu.memref_slice %arg2[%add3A_19] : memref<1572864xf32, #tpu.memory_space<hbm>> -> memref<16384xf32, #tpu.memory_space<hbm>>
    %dma_start3A_23 = arith.constant 32768 : i32
    %dma_start3A_24 = tpu.memref_slice %arg4[%dma_start3A_23] : memref<49152xf32, #tpu.memory_space<vmem>> -> memref<16384xf32, #tpu.memory_space<vmem>>
    %dma_start3A_25 = tpu.memref_slice %arg2[%add3A_19] : memref<1572864xf32, #tpu.memory_space<hbm>> -> memref<16384xf32, #tpu.memory_space<hbm>>
    tpu.enqueue_dma source(%dma_start3A_25 : memref<16384xf32, #tpu.memory_space<hbm>>) target(%dma_start3A_24 : memref<16384xf32, #tpu.memory_space<vmem>>) target_semaphore(%arg6 : memref<!tpu.dma_semaphore, #tpu.memory_space<semaphore_mem>>)
    %broadcast_in_dim3A = arith.constant 0.000000e+00 : f32
    %broadcast_in_dim3A_26 = vector.broadcast %broadcast_in_dim3A : f32 to vector<16xf32>
    %parallel_loop3A = arith.constant 0 : i32
    %parallel_loop3A_27 = arith.constant 1539 : i32
    %parallel_loop3A_28 = arith.constant 1 : i32
    scf.for %parallel_loop3A_69 = %parallel_loop3A to %parallel_loop3A_27 step %parallel_loop3A_28  : i32 {
      %parallel_loop3A_70 = arith.constant 16 : i32
      %parallel_loop3A_71 = arith.muli %parallel_loop3A_69, %parallel_loop3A_70 : i32
      %parallel_loop3A_72 = arith.index_cast %parallel_loop3A_71 : i32 to index
      %parallel_loop3A_73 = tpu.vector_load %arg5[%parallel_loop3A_72] {strides = array<i32>} : memref<24624xf32, #tpu.memory_space<vmem>>, vector<16xf32>,
      tpu.vector_store %arg5[%parallel_loop3A_72], %broadcast_in_dim3A_26 {strides = array<i32>} : memref<24624xf32, #tpu.memory_space<vmem>>, vector<16xf32>,
    } {sc.loop_unroll_factor = 16 : i64, sc.parallel_access}
    %broadcast_in_dim3A_29 = arith.constant 1.000000e+00 : f32
    %broadcast_in_dim3A_30 = vector.broadcast %broadcast_in_dim3A_29 : f32 to vector<16xf32>
    %dma_wait3A = arith.constant 0 : i32
    %dma_wait3A_31 = tpu.memref_slice %arg4[%dma_wait3A] : memref<49152xf32, #tpu.memory_space<vmem>> -> memref<16384xf32, #tpu.memory_space<vmem>>
    %dma_wait3A_32 = tpu.memref_slice %arg2[%add3A_4] : memref<1572864xf32, #tpu.memory_space<hbm>> -> memref<16384xf32, #tpu.memory_space<hbm>>
    %dma_wait3A_33 = arith.constant 0 : i32
    %dma_wait3A_34 = tpu.memref_slice %arg4[%dma_wait3A_33] : memref<49152xf32, #tpu.memory_space<vmem>> -> memref<16384xf32, #tpu.memory_space<vmem>>
    %dma_wait3A_35 = tpu.memref_slice %arg2[%add3A_4] : memref<1572864xf32, #tpu.memory_space<hbm>> -> memref<16384xf32, #tpu.memory_space<hbm>>
    tpu.wait_dma2 semaphore(%arg6 : memref<!tpu.dma_semaphore, #tpu.memory_space<semaphore_mem>>) src(%dma_wait3A_35 : memref<16384xf32, #tpu.memory_space<hbm>>) dst(%dma_wait3A_34 : memref<16384xf32, #tpu.memory_space<vmem>>)
    %parallel_loop3A_36 = arith.constant 0 : i32
    %parallel_loop3A_37 = arith.constant 1024 : i32
    %parallel_loop3A_38 = arith.constant 1 : i32
    scf.for %parallel_loop3A_69 = %parallel_loop3A_36 to %parallel_loop3A_37 step %parallel_loop3A_38  : i32 {
      %parallel_loop3A_70 = arith.constant 16 : i32
      %parallel_loop3A_71 = arith.muli %parallel_loop3A_69, %parallel_loop3A_70 : i32
      %parallel_loop3A_72 = arith.constant 0 : i32
      %parallel_loop3A_73 = arith.addi %parallel_loop3A_72, %parallel_loop3A_71 : i32
      %parallel_loop3A_74 = arith.index_cast %parallel_loop3A_73 : i32 to index
      %parallel_loop3A_75 = tpu.vector_load %arg4[%parallel_loop3A_74] {strides = array<i32>} : memref<49152xf32, #tpu.memory_space<vmem>>, vector<16xf32>,
      %parallel_loop3A_76 = arith.constant 2.000000e+00 : f32
      %parallel_loop3A_77 = vector.broadcast %parallel_loop3A_76 : f32 to vector<16xf32>
      %parallel_loop3A_78 = arith.addf %parallel_loop3A_75, %parallel_loop3A_77 : vector<16xf32>
      %parallel_loop3A_79 = arith.constant 2.048000e+03 : f32
      %parallel_loop3A_80 = vector.broadcast %parallel_loop3A_79 : f32 to vector<16xf32>
      %parallel_loop3A_81 = arith.mulf %parallel_loop3A_78, %parallel_loop3A_80 : vector<16xf32>
      %parallel_loop3A_82 = arith.constant 0x4B400000 : f32
      %parallel_loop3A_83 = vector.broadcast %parallel_loop3A_82 : f32 to vector<16xf32>
      %parallel_loop3A_84 = arith.addf %parallel_loop3A_81, %parallel_loop3A_83 : vector<16xf32>
      %parallel_loop3A_85 = arith.constant 0x4B400000 : f32
      %parallel_loop3A_86 = vector.broadcast %parallel_loop3A_85 : f32 to vector<16xf32>
      %parallel_loop3A_87 = arith.subf %parallel_loop3A_84, %parallel_loop3A_86 : vector<16xf32>
      %parallel_loop3A_88 = arith.constant -1.000000e+00 : f32
      %parallel_loop3A_89 = vector.broadcast %parallel_loop3A_88 : f32 to vector<16xf32>
      %parallel_loop3A_90 = arith.maximumf %parallel_loop3A_87, %parallel_loop3A_89 : vector<16xf32>
      %parallel_loop3A_91 = arith.constant 8.192000e+03 : f32
      %parallel_loop3A_92 = vector.broadcast %parallel_loop3A_91 : f32 to vector<16xf32>
      %parallel_loop3A_93 = arith.minimumf %parallel_loop3A_90, %parallel_loop3A_92 : vector<16xf32>
      %parallel_loop3A_94 = arith.fptosi %parallel_loop3A_93 : vector<16xf32> to vector<16xi32>
      %parallel_loop3A_95 = arith.constant 8 : i32
      %parallel_loop3A_96 = vector.broadcast %parallel_loop3A_95 : i32 to vector<16xi32>
      %parallel_loop3A_97 = arith.addi %parallel_loop3A_94, %parallel_loop3A_96 : vector<16xi32>
      tpu.vector_store_idx %arg5[%parallel_loop3A_97], %broadcast_in_dim3A_30 : memref<24624xf32, #tpu.memory_space<vmem>>[vector<16xi32>], vector<16xf32>,
    } {sc.loop_unroll_factor = 16 : i64, sc.parallel_access}
    %dma_wait3A_39 = arith.constant 16384 : i32
    %dma_wait3A_40 = tpu.memref_slice %arg4[%dma_wait3A_39] : memref<49152xf32, #tpu.memory_space<vmem>> -> memref<16384xf32, #tpu.memory_space<vmem>>
    %dma_wait3A_41 = tpu.memref_slice %arg2[%add3A_11] : memref<1572864xf32, #tpu.memory_space<hbm>> -> memref<16384xf32, #tpu.memory_space<hbm>>
    %dma_wait3A_42 = arith.constant 16384 : i32
    %dma_wait3A_43 = tpu.memref_slice %arg4[%dma_wait3A_42] : memref<49152xf32, #tpu.memory_space<vmem>> -> memref<16384xf32, #tpu.memory_space<vmem>>
    %dma_wait3A_44 = tpu.memref_slice %arg2[%add3A_11] : memref<1572864xf32, #tpu.memory_space<hbm>> -> memref<16384xf32, #tpu.memory_space<hbm>>
    tpu.wait_dma2 semaphore(%arg6 : memref<!tpu.dma_semaphore, #tpu.memory_space<semaphore_mem>>) src(%dma_wait3A_44 : memref<16384xf32, #tpu.memory_space<hbm>>) dst(%dma_wait3A_43 : memref<16384xf32, #tpu.memory_space<vmem>>)
    %parallel_loop3A_45 = arith.constant 0 : i32
    %parallel_loop3A_46 = arith.constant 1024 : i32
    %parallel_loop3A_47 = arith.constant 1 : i32
    scf.for %parallel_loop3A_69 = %parallel_loop3A_45 to %parallel_loop3A_46 step %parallel_loop3A_47  : i32 {
      %parallel_loop3A_70 = arith.constant 16 : i32
      %parallel_loop3A_71 = arith.muli %parallel_loop3A_69, %parallel_loop3A_70 : i32
      %parallel_loop3A_72 = arith.constant 16384 : i32
      %parallel_loop3A_73 = arith.addi %parallel_loop3A_72, %parallel_loop3A_71 : i32
      %parallel_loop3A_74 = arith.index_cast %parallel_loop3A_73 : i32 to index
      %parallel_loop3A_75 = tpu.vector_load %arg4[%parallel_loop3A_74] {strides = array<i32>} : memref<49152xf32, #tpu.memory_space<vmem>>, vector<16xf32>,
      %parallel_loop3A_76 = arith.constant 2.000000e+00 : f32
      %parallel_loop3A_77 = vector.broadcast %parallel_loop3A_76 : f32 to vector<16xf32>
      %parallel_loop3A_78 = arith.addf %parallel_loop3A_75, %parallel_loop3A_77 : vector<16xf32>
      %parallel_loop3A_79 = arith.constant 2.048000e+03 : f32
      %parallel_loop3A_80 = vector.broadcast %parallel_loop3A_79 : f32 to vector<16xf32>
      %parallel_loop3A_81 = arith.mulf %parallel_loop3A_78, %parallel_loop3A_80 : vector<16xf32>
      %parallel_loop3A_82 = arith.constant 0x4B400000 : f32
      %parallel_loop3A_83 = vector.broadcast %parallel_loop3A_82 : f32 to vector<16xf32>
      %parallel_loop3A_84 = arith.addf %parallel_loop3A_81, %parallel_loop3A_83 : vector<16xf32>
      %parallel_loop3A_85 = arith.constant 0x4B400000 : f32
      %parallel_loop3A_86 = vector.broadcast %parallel_loop3A_85 : f32 to vector<16xf32>
      %parallel_loop3A_87 = arith.subf %parallel_loop3A_84, %parallel_loop3A_86 : vector<16xf32>
      %parallel_loop3A_88 = arith.constant -1.000000e+00 : f32
      %parallel_loop3A_89 = vector.broadcast %parallel_loop3A_88 : f32 to vector<16xf32>
      %parallel_loop3A_90 = arith.maximumf %parallel_loop3A_87, %parallel_loop3A_89 : vector<16xf32>
      %parallel_loop3A_91 = arith.constant 8.192000e+03 : f32
      %parallel_loop3A_92 = vector.broadcast %parallel_loop3A_91 : f32 to vector<16xf32>
      %parallel_loop3A_93 = arith.minimumf %parallel_loop3A_90, %parallel_loop3A_92 : vector<16xf32>
      %parallel_loop3A_94 = arith.fptosi %parallel_loop3A_93 : vector<16xf32> to vector<16xi32>
      %parallel_loop3A_95 = arith.constant 8216 : i32
      %parallel_loop3A_96 = vector.broadcast %parallel_loop3A_95 : i32 to vector<16xi32>
      %parallel_loop3A_97 = arith.addi %parallel_loop3A_94, %parallel_loop3A_96 : vector<16xi32>
      tpu.vector_store_idx %arg5[%parallel_loop3A_97], %broadcast_in_dim3A_30 : memref<24624xf32, #tpu.memory_space<vmem>>[vector<16xi32>], vector<16xf32>,
    } {sc.loop_unroll_factor = 16 : i64, sc.parallel_access}
    %dma_wait3A_48 = arith.constant 32768 : i32
    %dma_wait3A_49 = tpu.memref_slice %arg4[%dma_wait3A_48] : memref<49152xf32, #tpu.memory_space<vmem>> -> memref<16384xf32, #tpu.memory_space<vmem>>
    %dma_wait3A_50 = tpu.memref_slice %arg2[%add3A_19] : memref<1572864xf32, #tpu.memory_space<hbm>> -> memref<16384xf32, #tpu.memory_space<hbm>>
    %dma_wait3A_51 = arith.constant 32768 : i32
    %dma_wait3A_52 = tpu.memref_slice %arg4[%dma_wait3A_51] : memref<49152xf32, #tpu.memory_space<vmem>> -> memref<16384xf32, #tpu.memory_space<vmem>>
    %dma_wait3A_53 = tpu.memref_slice %arg2[%add3A_19] : memref<1572864xf32, #tpu.memory_space<hbm>> -> memref<16384xf32, #tpu.memory_space<hbm>>
    tpu.wait_dma2 semaphore(%arg6 : memref<!tpu.dma_semaphore, #tpu.memory_space<semaphore_mem>>) src(%dma_wait3A_53 : memref<16384xf32, #tpu.memory_space<hbm>>) dst(%dma_wait3A_52 : memref<16384xf32, #tpu.memory_space<vmem>>)
    %parallel_loop3A_54 = arith.constant 0 : i32
    %parallel_loop3A_55 = arith.constant 1024 : i32
    %parallel_loop3A_56 = arith.constant 1 : i32
    scf.for %parallel_loop3A_69 = %parallel_loop3A_54 to %parallel_loop3A_55 step %parallel_loop3A_56  : i32 {
      %parallel_loop3A_70 = arith.constant 16 : i32
      %parallel_loop3A_71 = arith.muli %parallel_loop3A_69, %parallel_loop3A_70 : i32
      %parallel_loop3A_72 = arith.constant 32768 : i32
      %parallel_loop3A_73 = arith.addi %parallel_loop3A_72, %parallel_loop3A_71 : i32
      %parallel_loop3A_74 = arith.index_cast %parallel_loop3A_73 : i32 to index
      %parallel_loop3A_75 = tpu.vector_load %arg4[%parallel_loop3A_74] {strides = array<i32>} : memref<49152xf32, #tpu.memory_space<vmem>>, vector<16xf32>,
      %parallel_loop3A_76 = arith.constant 2.000000e+00 : f32
      %parallel_loop3A_77 = vector.broadcast %parallel_loop3A_76 : f32 to vector<16xf32>
      %parallel_loop3A_78 = arith.addf %parallel_loop3A_75, %parallel_loop3A_77 : vector<16xf32>
      %parallel_loop3A_79 = arith.constant 2.048000e+03 : f32
      %parallel_loop3A_80 = vector.broadcast %parallel_loop3A_79 : f32 to vector<16xf32>
      %parallel_loop3A_81 = arith.mulf %parallel_loop3A_78, %parallel_loop3A_80 : vector<16xf32>
      %parallel_loop3A_82 = arith.constant 0x4B400000 : f32
      %parallel_loop3A_83 = vector.broadcast %parallel_loop3A_82 : f32 to vector<16xf32>
      %parallel_loop3A_84 = arith.addf %parallel_loop3A_81, %parallel_loop3A_83 : vector<16xf32>
      %parallel_loop3A_85 = arith.constant 0x4B400000 : f32
      %parallel_loop3A_86 = vector.broadcast %parallel_loop3A_85 : f32 to vector<16xf32>
      %parallel_loop3A_87 = arith.subf %parallel_loop3A_84, %parallel_loop3A_86 : vector<16xf32>
      %parallel_loop3A_88 = arith.constant -1.000000e+00 : f32
      %parallel_loop3A_89 = vector.broadcast %parallel_loop3A_88 : f32 to vector<16xf32>
      %parallel_loop3A_90 = arith.maximumf %parallel_loop3A_87, %parallel_loop3A_89 : vector<16xf32>
      %parallel_loop3A_91 = arith.constant 8.192000e+03 : f32
      %parallel_loop3A_92 = vector.broadcast %parallel_loop3A_91 : f32 to vector<16xf32>
      %parallel_loop3A_93 = arith.minimumf %parallel_loop3A_90, %parallel_loop3A_92 : vector<16xf32>
      %parallel_loop3A_94 = arith.fptosi %parallel_loop3A_93 : vector<16xf32> to vector<16xi32>
      %parallel_loop3A_95 = arith.constant 16424 : i32
      %parallel_loop3A_96 = vector.broadcast %parallel_loop3A_95 : i32 to vector<16xi32>
      %parallel_loop3A_97 = arith.addi %parallel_loop3A_94, %parallel_loop3A_96 : vector<16xi32>
      tpu.vector_store_idx %arg5[%parallel_loop3A_97], %broadcast_in_dim3A_30 : memref<24624xf32, #tpu.memory_space<vmem>>[vector<16xi32>], vector<16xf32>,
    } {sc.loop_unroll_factor = 16 : i64, sc.parallel_access}
    %add3A_57 = arith.constant 0 : i32
    %add3A_58 = arith.addi %add3A_57, %add3A : i32
    %mul3A_59 = arith.constant 8192 : i32
    %mul3A_60 = arith.muli %add3A_58, %mul3A_59 : i32
    "tpu.region"() ({
      %run_scoped3A = tpu.sem_alloc : memref<!tpu.dma_semaphore, #tpu.memory_space<semaphore_mem>>
      %dma_start3A_69 = arith.constant 8 : i32
      %dma_start3A_70 = tpu.memref_slice %arg5[%dma_start3A_69] : memref<24624xf32, #tpu.memory_space<vmem>> -> memref<8192xf32, #tpu.memory_space<vmem>>
      %dma_start3A_71 = tpu.memref_slice %arg3[%mul3A_60] : memref<786432xf32, #tpu.memory_space<hbm>> -> memref<8192xf32, #tpu.memory_space<hbm>>
      %dma_start3A_72 = tpu.memref_slice %arg3[%mul3A_60] : memref<786432xf32, #tpu.memory_space<hbm>> -> memref<8192xf32, #tpu.memory_space<hbm>>
      %dma_start3A_73 = arith.constant 8 : i32
      %dma_start3A_74 = tpu.memref_slice %arg5[%dma_start3A_73] : memref<24624xf32, #tpu.memory_space<vmem>> -> memref<8192xf32, #tpu.memory_space<vmem>>
      tpu.enqueue_dma source(%dma_start3A_74 : memref<8192xf32, #tpu.memory_space<vmem>>) target(%dma_start3A_72 : memref<8192xf32, #tpu.memory_space<hbm>>) target_semaphore(%run_scoped3A : memref<!tpu.dma_semaphore, #tpu.memory_space<semaphore_mem>>)
      %dma_wait3A_75 = arith.constant 8 : i32
      %dma_wait3A_76 = tpu.memref_slice %arg5[%dma_wait3A_75] : memref<24624xf32, #tpu.memory_space<vmem>> -> memref<8192xf32, #tpu.memory_space<vmem>>
      %dma_wait3A_77 = tpu.memref_slice %arg3[%mul3A_60] : memref<786432xf32, #tpu.memory_space<hbm>> -> memref<8192xf32, #tpu.memory_space<hbm>>
      %dma_wait3A_78 = tpu.memref_slice %arg3[%mul3A_60] : memref<786432xf32, #tpu.memory_space<hbm>> -> memref<8192xf32, #tpu.memory_space<hbm>>
      %dma_wait3A_79 = arith.constant 8 : i32
      %dma_wait3A_80 = tpu.memref_slice %arg5[%dma_wait3A_79] : memref<24624xf32, #tpu.memory_space<vmem>> -> memref<8192xf32, #tpu.memory_space<vmem>>
      tpu.wait_dma2 semaphore(%run_scoped3A : memref<!tpu.dma_semaphore, #tpu.memory_space<semaphore_mem>>) src(%dma_wait3A_80 : memref<8192xf32, #tpu.memory_space<vmem>>) dst(%dma_wait3A_78 : memref<8192xf32, #tpu.memory_space<hbm>>)
      tpu.yield
    }) : () -> ()
    %add3A_61 = arith.constant 32 : i32
    %add3A_62 = arith.addi %add3A_61, %add3A : i32
    %mul3A_63 = arith.constant 8192 : i32
    %mul3A_64 = arith.muli %add3A_62, %mul3A_63 : i32
    "tpu.region"() ({
      %run_scoped3A = tpu.sem_alloc : memref<!tpu.dma_semaphore, #tpu.memory_space<semaphore_mem>>
      %dma_start3A_69 = arith.constant 8216 : i32
      %dma_start3A_70 = tpu.memref_slice %arg5[%dma_start3A_69] : memref<24624xf32, #tpu.memory_space<vmem>> -> memref<8192xf32, #tpu.memory_space<vmem>>
      %dma_start3A_71 = tpu.memref_slice %arg3[%mul3A_64] : memref<786432xf32, #tpu.memory_space<hbm>> -> memref<8192xf32, #tpu.memory_space<hbm>>
      %dma_start3A_72 = tpu.memref_slice %arg3[%mul3A_64] : memref<786432xf32, #tpu.memory_space<hbm>> -> memref<8192xf32, #tpu.memory_space<hbm>>
      %dma_start3A_73 = arith.constant 8216 : i32
      %dma_start3A_74 = tpu.memref_slice %arg5[%dma_start3A_73] : memref<24624xf32, #tpu.memory_space<vmem>> -> memref<8192xf32, #tpu.memory_space<vmem>>
      tpu.enqueue_dma source(%dma_start3A_74 : memref<8192xf32, #tpu.memory_space<vmem>>) target(%dma_start3A_72 : memref<8192xf32, #tpu.memory_space<hbm>>) target_semaphore(%run_scoped3A : memref<!tpu.dma_semaphore, #tpu.memory_space<semaphore_mem>>)
      %dma_wait3A_75 = arith.constant 8216 : i32
      %dma_wait3A_76 = tpu.memref_slice %arg5[%dma_wait3A_75] : memref<24624xf32, #tpu.memory_space<vmem>> -> memref<8192xf32, #tpu.memory_space<vmem>>
      %dma_wait3A_77 = tpu.memref_slice %arg3[%mul3A_64] : memref<786432xf32, #tpu.memory_space<hbm>> -> memref<8192xf32, #tpu.memory_space<hbm>>
      %dma_wait3A_78 = tpu.memref_slice %arg3[%mul3A_64] : memref<786432xf32, #tpu.memory_space<hbm>> -> memref<8192xf32, #tpu.memory_space<hbm>>
      %dma_wait3A_79 = arith.constant 8216 : i32
      %dma_wait3A_80 = tpu.memref_slice %arg5[%dma_wait3A_79] : memref<24624xf32, #tpu.memory_space<vmem>> -> memref<8192xf32, #tpu.memory_space<vmem>>
      tpu.wait_dma2 semaphore(%run_scoped3A : memref<!tpu.dma_semaphore, #tpu.memory_space<semaphore_mem>>) src(%dma_wait3A_80 : memref<8192xf32, #tpu.memory_space<vmem>>) dst(%dma_wait3A_78 : memref<8192xf32, #tpu.memory_space<hbm>>)
      tpu.yield
    }) : () -> ()
    %add3A_65 = arith.constant 64 : i32
    %add3A_66 = arith.addi %add3A_65, %add3A : i32
    %mul3A_67 = arith.constant 8192 : i32
    %mul3A_68 = arith.muli %add3A_66, %mul3A_67 : i32
    "tpu.region"() ({
      %run_scoped3A = tpu.sem_alloc : memref<!tpu.dma_semaphore, #tpu.memory_space<semaphore_mem>>
      %dma_start3A_69 = arith.constant 16424 : i32
      %dma_start3A_70 = tpu.memref_slice %arg5[%dma_start3A_69] : memref<24624xf32, #tpu.memory_space<vmem>> -> memref<8192xf32, #tpu.memory_space<vmem>>
      %dma_start3A_71 = tpu.memref_slice %arg3[%mul3A_68] : memref<786432xf32, #tpu.memory_space<hbm>> -> memref<8192xf32, #tpu.memory_space<hbm>>
      %dma_start3A_72 = tpu.memref_slice %arg3[%mul3A_68] : memref<786432xf32, #tpu.memory_space<hbm>> -> memref<8192xf32, #tpu.memory_space<hbm>>
      %dma_start3A_73 = arith.constant 16424 : i32
      %dma_start3A_74 = tpu.memref_slice %arg5[%dma_start3A_73] : memref<24624xf32, #tpu.memory_space<vmem>> -> memref<8192xf32, #tpu.memory_space<vmem>>
      tpu.enqueue_dma source(%dma_start3A_74 : memref<8192xf32, #tpu.memory_space<vmem>>) target(%dma_start3A_72 : memref<8192xf32, #tpu.memory_space<hbm>>) target_semaphore(%run_scoped3A : memref<!tpu.dma_semaphore, #tpu.memory_space<semaphore_mem>>)
      %dma_wait3A_75 = arith.constant 16424 : i32
      %dma_wait3A_76 = tpu.memref_slice %arg5[%dma_wait3A_75] : memref<24624xf32, #tpu.memory_space<vmem>> -> memref<8192xf32, #tpu.memory_space<vmem>>
      %dma_wait3A_77 = tpu.memref_slice %arg3[%mul3A_68] : memref<786432xf32, #tpu.memory_space<hbm>> -> memref<8192xf32, #tpu.memory_space<hbm>>
      %dma_wait3A_78 = tpu.memref_slice %arg3[%mul3A_68] : memref<786432xf32, #tpu.memory_space<hbm>> -> memref<8192xf32, #tpu.memory_space<hbm>>
      %dma_wait3A_79 = arith.constant 16424 : i32
      %dma_wait3A_80 = tpu.memref_slice %arg5[%dma_wait3A_79] : memref<24624xf32, #tpu.memory_space<vmem>> -> memref<8192xf32, #tpu.memory_space<vmem>>
      tpu.wait_dma2 semaphore(%run_scoped3A : memref<!tpu.dma_semaphore, #tpu.memory_space<semaphore_mem>>) src(%dma_wait3A_80 : memref<8192xf32, #tpu.memory_space<vmem>>) dst(%dma_wait3A_78 : memref<8192xf32, #tpu.memory_space<hbm>>)
      tpu.yield
    }) : () -> ()
    return
  }
}

module attributes {stable_mosaic.version = 14 : i64} {
  func.func @body(%arg0: memref<96x8192xf32, #tpu.memory_space<vmem>>, %arg1: memref<8192x64xf32, #tpu.memory_space<vmem>>, %arg2: memref<8192x64xf32, #tpu.memory_space<vmem>>, %arg3: memref<8192x64xf32, #tpu.memory_space<vmem>>, %arg4: memref<64x128xf32, #tpu.memory_space<vmem>>, %arg5: memref<1x128xf32, #tpu.memory_space<vmem>>, %arg6: memref<128x1xf32, #tpu.memory_space<vmem>>, %arg7: memref<1x1xf32, #tpu.memory_space<vmem>>, %arg8: memref<8192x1xf32, #tpu.memory_space<vmem>>, %arg9: memref<1x1xf32, #tpu.memory_space<vmem>>) attributes {dimension_semantics = [], scalar_prefetch = 0 : i64, scratch_operands = 0 : i64, tpu.core_type = #tpu.core_type<tc>} {
    %get3A = arith.constant 0 : index
    %get3A_0 = arith.constant 0 : index
    %get3A_1 = vector.load %arg5[%get3A, %get3A_0] : memref<1x128xf32, #tpu.memory_space<vmem>>, vector<1x128xf32>
    %max3A = arith.constant 0.000000e+00 : f32
    %max3A_2 = vector.broadcast %max3A : f32 to vector<1x128xf32>
    %max3A_3 = arith.maximumf %get3A_1, %max3A_2 : vector<1x128xf32>
    %get3A_4 = arith.constant 0 : index
    %get3A_5 = arith.constant 0 : index
    %get3A_6 = vector.load %arg6[%get3A_4, %get3A_5] : memref<128x1xf32, #tpu.memory_space<vmem>>, vector<128x1xf32>
    %dot_general3A = arith.constant dense<0.000000e+00> : vector<1x1xf32>
    %dot_general3A_7 = tpu.matmul %max3A_3, %get3A_6, %dot_general3A {dimension_numbers = #tpu.dot_dimension_numbers<[1], [0], [0], [1], [0, 0, 1, 1], [], []>, transpose_lhs_hint = false} : vector<1x128xf32>, vector<128x1xf32>, vector<1x1xf32> -> vector<1x1xf32>
    %get3A_8 = arith.constant 0 : index
    %get3A_9 = arith.constant 0 : index
    %get3A_10 = vector.load %arg7[%get3A_8, %get3A_9] : memref<1x1xf32, #tpu.memory_space<vmem>>, vector<1x1xf32>
    %add3A = arith.addf %dot_general3A_7, %get3A_10 : vector<1x1xf32>
    %swap3A = arith.constant 0 : index
    %swap3A_11 = arith.constant 0 : index
    %swap3A_12 = vector.load %arg9[%swap3A, %swap3A_11] : memref<1x1xf32, #tpu.memory_space<vmem>>, vector<1x1xf32>
    tpu.vector_store %arg9[%swap3A, %swap3A_11], %add3A {strides = array<i32>} : memref<1x1xf32, #tpu.memory_space<vmem>>, vector<1x1xf32>,
    %broadcast_in_dim3A = arith.constant 1.000000e+00 : f32
    %broadcast_in_dim3A_13 = vector.broadcast %broadcast_in_dim3A : f32 to vector<32x1xf32>
    %get3A_14 = arith.constant 0 : index
    %get3A_15 = arith.constant 0 : index
    %get3A_16 = vector.load %arg0[%get3A_14, %get3A_15] : memref<96x8192xf32, #tpu.memory_space<vmem>>, vector<96x8192xf32>
    %slice3A = vector.extract_strided_slice %get3A_16 {offsets = [0, 0], sizes = [32, 8192], strides = [1, 1]} : vector<96x8192xf32> to vector<32x8192xf32>
    %dot_general3A_17 = arith.constant dense<0.000000e+00> : vector<8192x1xf32>
    %dot_general3A_18 = tpu.matmul %slice3A, %broadcast_in_dim3A_13, %dot_general3A_17 {dimension_numbers = #tpu.dot_dimension_numbers<[0], [0], [1], [1], [0, 1, 1, 1], [], []>, transpose_lhs_hint = false} : vector<32x8192xf32>, vector<32x1xf32>, vector<8192x1xf32> -> vector<8192x1xf32>
    %min3A = arith.constant 1.000000e+00 : f32
    %min3A_19 = vector.broadcast %min3A : f32 to vector<8192x1xf32>
    %min3A_20 = arith.minimumf %dot_general3A_18, %min3A_19 : vector<8192x1xf32>
    %slice3A_21 = vector.extract_strided_slice %get3A_16 {offsets = [32, 0], sizes = [32, 8192], strides = [1, 1]} : vector<96x8192xf32> to vector<32x8192xf32>
    %dot_general3A_22 = arith.constant dense<0.000000e+00> : vector<8192x1xf32>
    %dot_general3A_23 = tpu.matmul %slice3A_21, %broadcast_in_dim3A_13, %dot_general3A_22 {dimension_numbers = #tpu.dot_dimension_numbers<[0], [0], [1], [1], [0, 1, 1, 1], [], []>, transpose_lhs_hint = false} : vector<32x8192xf32>, vector<32x1xf32>, vector<8192x1xf32> -> vector<8192x1xf32>
    %min3A_24 = arith.constant 1.000000e+00 : f32
    %min3A_25 = vector.broadcast %min3A_24 : f32 to vector<8192x1xf32>
    %min3A_26 = arith.minimumf %dot_general3A_23, %min3A_25 : vector<8192x1xf32>
    %slice3A_27 = vector.extract_strided_slice %get3A_16 {offsets = [64, 0], sizes = [32, 8192], strides = [1, 1]} : vector<96x8192xf32> to vector<32x8192xf32>
    %dot_general3A_28 = arith.constant dense<0.000000e+00> : vector<8192x1xf32>
    %dot_general3A_29 = tpu.matmul %slice3A_27, %broadcast_in_dim3A_13, %dot_general3A_28 {dimension_numbers = #tpu.dot_dimension_numbers<[0], [0], [1], [1], [0, 1, 1, 1], [], []>, transpose_lhs_hint = false} : vector<32x8192xf32>, vector<32x1xf32>, vector<8192x1xf32> -> vector<8192x1xf32>
    %min3A_30 = arith.constant 1.000000e+00 : f32
    %min3A_31 = vector.broadcast %min3A_30 : f32 to vector<8192x1xf32>
    %min3A_32 = arith.minimumf %dot_general3A_29, %min3A_31 : vector<8192x1xf32>
    %get3A_33 = arith.constant 0 : index
    %get3A_34 = arith.constant 0 : index
    %get3A_35 = vector.load %arg1[%get3A_33, %get3A_34] : memref<8192x64xf32, #tpu.memory_space<vmem>>, vector<8192x64xf32>
    %mul3A = vector.broadcast %min3A_20 : vector<8192x1xf32> to vector<8192x64xf32>
    %mul3A_36 = arith.mulf %get3A_35, %mul3A : vector<8192x64xf32>
    %get3A_37 = arith.constant 0 : index
    %get3A_38 = arith.constant 0 : index
    %get3A_39 = vector.load %arg2[%get3A_37, %get3A_38] : memref<8192x64xf32, #tpu.memory_space<vmem>>, vector<8192x64xf32>
    %mul3A_40 = vector.broadcast %min3A_26 : vector<8192x1xf32> to vector<8192x64xf32>
    %mul3A_41 = arith.mulf %get3A_39, %mul3A_40 : vector<8192x64xf32>
    %get3A_42 = arith.constant 0 : index
    %get3A_43 = arith.constant 0 : index
    %get3A_44 = vector.load %arg3[%get3A_42, %get3A_43] : memref<8192x64xf32, #tpu.memory_space<vmem>>, vector<8192x64xf32>
    %mul3A_45 = vector.broadcast %min3A_32 : vector<8192x1xf32> to vector<8192x64xf32>
    %mul3A_46 = arith.mulf %get3A_44, %mul3A_45 : vector<8192x64xf32>
    %mul3A_47 = arith.mulf %mul3A_36, %mul3A_41 : vector<8192x64xf32>
    %add3A_48 = arith.addf %mul3A_36, %mul3A_41 : vector<8192x64xf32>
    %add3A_49 = arith.addf %add3A_48, %mul3A_46 : vector<8192x64xf32>
    %add3A_50 = arith.addf %mul3A_36, %mul3A_41 : vector<8192x64xf32>
    %mul3A_51 = arith.mulf %add3A_50, %mul3A_46 : vector<8192x64xf32>
    %add3A_52 = arith.addf %mul3A_47, %mul3A_51 : vector<8192x64xf32>
    %mul3A_53 = arith.constant 2.500000e+00 : f32
    %mul3A_54 = vector.broadcast %mul3A_53 : f32 to vector<8192x64xf32>
    %mul3A_55 = arith.mulf %add3A_52, %mul3A_54 : vector<8192x64xf32>
    %add3A_56 = arith.addf %add3A_49, %mul3A_55 : vector<8192x64xf32>
    %mul3A_57 = arith.mulf %mul3A_47, %mul3A_46 : vector<8192x64xf32>
    %mul3A_58 = arith.constant 6.250000e+00 : f32
    %mul3A_59 = vector.broadcast %mul3A_58 : f32 to vector<8192x64xf32>
    %mul3A_60 = arith.mulf %mul3A_57, %mul3A_59 : vector<8192x64xf32>
    %add3A_61 = arith.addf %add3A_56, %mul3A_60 : vector<8192x64xf32>
    %get3A_62 = arith.constant 0 : index
    %get3A_63 = arith.constant 0 : index
    %get3A_64 = vector.load %arg4[%get3A_62, %get3A_63] : memref<64x128xf32, #tpu.memory_space<vmem>>, vector<64x128xf32>
    %dot_general3A_65 = arith.constant dense<0.000000e+00> : vector<8192x128xf32>
    %dot_general3A_66 = tpu.matmul %add3A_61, %get3A_64, %dot_general3A_65 {dimension_numbers = #tpu.dot_dimension_numbers<[1], [0], [0], [1], [0, 0, 1, 1], [], []>, transpose_lhs_hint = false} : vector<8192x64xf32>, vector<64x128xf32>, vector<8192x128xf32> -> vector<8192x128xf32>
    %get3A_67 = arith.constant 0 : index
    %get3A_68 = arith.constant 0 : index
    %get3A_69 = vector.load %arg5[%get3A_67, %get3A_68] : memref<1x128xf32, #tpu.memory_space<vmem>>, vector<1x128xf32>
    %add3A_70 = vector.broadcast %get3A_69 : vector<1x128xf32> to vector<8192x128xf32>
    %add3A_71 = arith.addf %dot_general3A_66, %add3A_70 : vector<8192x128xf32>
    %max3A_72 = arith.constant 0.000000e+00 : f32
    %max3A_73 = vector.broadcast %max3A_72 : f32 to vector<8192x128xf32>
    %max3A_74 = arith.maximumf %add3A_71, %max3A_73 : vector<8192x128xf32>
    %get3A_75 = arith.constant 0 : index
    %get3A_76 = arith.constant 0 : index
    %get3A_77 = vector.load %arg6[%get3A_75, %get3A_76] : memref<128x1xf32, #tpu.memory_space<vmem>>, vector<128x1xf32>
    %dot_general3A_78 = arith.constant dense<0.000000e+00> : vector<8192x1xf32>
    %dot_general3A_79 = tpu.matmul %max3A_74, %get3A_77, %dot_general3A_78 {dimension_numbers = #tpu.dot_dimension_numbers<[1], [0], [0], [1], [0, 0, 1, 1], [], []>, transpose_lhs_hint = false} : vector<8192x128xf32>, vector<128x1xf32>, vector<8192x1xf32> -> vector<8192x1xf32>
    %get3A_80 = arith.constant 0 : index
    %get3A_81 = arith.constant 0 : index
    %get3A_82 = vector.load %arg7[%get3A_80, %get3A_81] : memref<1x1xf32, #tpu.memory_space<vmem>>, vector<1x1xf32>
    %add3A_83 = vector.broadcast %get3A_82 : vector<1x1xf32> to vector<8192x1xf32>
    %add3A_84 = arith.addf %dot_general3A_79, %add3A_83 : vector<8192x1xf32>
    %swap3A_85 = arith.constant 0 : index
    %swap3A_86 = arith.constant 0 : index
    %swap3A_87 = vector.load %arg8[%swap3A_85, %swap3A_86] : memref<8192x1xf32, #tpu.memory_space<vmem>>, vector<8192x1xf32>
    tpu.vector_store %arg8[%swap3A_85, %swap3A_86], %add3A_84 {strides = array<i32>} : memref<8192x1xf32, #tpu.memory_space<vmem>>, vector<8192x1xf32>,
    return
  }
}

</mosaic_0001>

<sc_bundles>
// kernel: kernel.4.cloned.1.call-start
scs
__scs_entry_jumppad:
0x0: {  	(pc) =	sbr.rel $0x88, $3  }
0x1: {  	(tag) =	ssettag $0x0;
	lr =	simm.s32 $0x1  }
0x2: {  	[smem:$0x3F99] =	sst lr;
	_ =	strace $0xD0000000  }
0x3: {  	_ = 	snop  }
0x4: {  	_ = 	snop  }
0x5: {  	_ = 	snop  }
0x6: {  	_ = 	snop  }
0x7: {  	_ = 	snop  }
__scs_overlays_trampoline_lowered:
0x8: {  	[smem:$0x3FA8] =	sst s0  }
0x9: {  	[smem:$0x3FA9] =	sst s1  }
0xa: {  	[smem:$0x3FAA] =	sst s2  }
0xb: {  	[smem:$0x3FAB] =	sst s3  }
0xc: {  	[smem:$0x3FAC] =	sst s4  }
0xd: {  	[smem:$0x3FAD] =	sst s5  }
0xe: {  	[smem:$0x3FAE] =	sst s6  }
0xf: {  	[smem:$0x3FAF] =	sst s7  }
0x10: {  	[smem:$0x3FB0] =	sst s8  }
0x11: {  	[smem:$0x3FB1] =	sst s9;
	s0 =	simm.s32 @!p0 $0x0  }
0x12: {  	s1 =	sld [smem:$0x3F97];
	s0 =	simm.s32 @p0 $0x1  }
0x13: {  	[smem:$0x3FB2] =	sst s0;
	s0 =	simm.s32 @!p1 $0x0  }
0x14: {  	s2 =	sld [smem:$0x3F96];
	s0 =	simm.s32 @p1 $0x1  }
0x15: {  	[smem:$0x3FB3] =	sst s0;
	s0 =	simm.s32 @!p2 $0x0  }
0x16: {  	s3 =	sld [smem:$0x3FDB];
	s0 =	simm.s32 @p2 $0x1  }
0x17: {  	s4 =	simm.s32 $0x1BF5;
	[smem:$0x3FB5] =	sst s0  }
0x18: {  	s0 =	sld [smem:$0x3F98];
	_ =	swait.ge [sflag:s4], $0x0  }
0x19: {  	s7 =	sld [smem:$0x3F99]  }
0x1a: {  	s8 =	sadd.s32 $0xFFFFE003, lr  }
0x1b: {  	s9 =	sadd.s32 $0xFFFFFEF7, lr;
	s5 =	simm.s32 $0xFFFFFFFF;
	p2 =	slt.u32 s8, $0xFFFFF086  }
0x1c: {  	p1 =	slt.u32 s9, $0xF7A;
	s5 =	simm.s32 @!p2 $0x0  }
0x1d: {  	s5 =	simm.s32 @p1 $0x1;
	p0 =	seq.s32 s7, s2  }
0x1e: {  	s7 =	smul.u32 @!p0 $0xF7A, s2;
	p2 =	seq.s32 @!p0 s5, $0x0  }
0x1f: {  	s9 =	smul.u32 $0xF7A, s1;
	s8 =	simm.s32 @!p0 $0x1BF5;
	p2 =	por !p2, p0  }
0x20: {  	[sflag:s8] =	ssyncset.s32 @!p0 $0xFFFFF086;
	s6 =	sadd.s32 @!p0 s3, s7;
	s7 =	simm.s32 @!p0 $0x108  }
0x21: {  	s3 =	sadd.s32 s3, s9;
	s6 =	sadd.s32 @!p0 $0x88, s6;
	s7 =	simm.s32 @p2 $0x1082  }
0x22: {  	[simem:s7], [sflag:s8] =	dma.local @!p0 [hbm:s6], $0xF7A  }
0x23: {  	s9 =	sor.u32 $0xD0000000, s2;
	s6 =	simm.s32 $0x108;
	_ =	swait.ge @!p0 [sflag:s8], $0x0  }
0x24: {  	s3 =	sadd.s32 $0x88, s3;
	s6 =	simm.s32 @!p1 $0x1082;
	[sflag:s4] =	ssyncset.s32 $0xFFFFF086  }
0x25: {  	[simem:s6], [sflag:s4] =	dma.local [hbm:s3], $0xF7A  }
0x26: {  	[smem:$0x3F99] =	sst s1;
	(tag) =	ssettag s2;
	_ =	strace s9  }
0x27: {  	s1 =	sld [smem:$0x3FA9]  }
0x28: {  	s2 =	sld [smem:$0x3FAA]  }
0x29: {  	s4 =	sld [smem:$0x3FAC]  }
0x2a: {  	p0 =	seq.s32 s5, $0x0;
	s5 =	sld [smem:$0x3FAD]  }
0x2b: {  	s6 =	sld [smem:$0x3FAE]  }
0x2c: {  	s7 =	sld [smem:$0x3FAF]  }
0x2d: {  	s3 =	simm.s32 $0x108;
	s8 =	sld [smem:$0x3FB0]  }
0x2e: {  	s3 =	simm.s32 @!p0 $0x1082;
	s9 =	sld [smem:$0x3FB1]  }
0x2f: {  	lr =	sadd.s32 s0, s3;
	s0 =	sld [smem:$0x3FA8]  }
0x30: {  	s3 =	sld [smem:$0x3FAB]  }
0x31: {  	[smem:$0x3FB4] =	sst s10  }
0x32: {  	s10 =	sld [smem:$0x3FB2];
	_ =	sdelay $0x3  }
0x33: {  	p0 =	seq.s32 s10, $0x1;
	s10 =	sld [smem:$0x3FB4];
	_ =	sdelay $0x3  }
0x34: {  	[smem:$0x3FB4] =	sst s10  }
0x35: {  	s10 =	sld [smem:$0x3FB3];
	_ =	sdelay $0x3  }
0x36: {  	p1 =	seq.s32 s10, $0x1;
	s10 =	sld [smem:$0x3FB4];
	_ =	sdelay $0x3  }
0x37: {  	[smem:$0x3FB4] =	sst s10  }
0x38: {  	s10 =	sld [smem:$0x3FB5]  }
0x39: {  	_ = 	snop;
	(pc) =	sbr.ind lr, $3  }
0x3a: {  	_ = 	snop  }
0x3b: {  	_ = 	snop  }
0x3c: {  	p2 =	seq.s32 s10, $0x1;
	s10 =	sld [smem:$0x3FB4]  }
0x3d: {  	_ =	shalt  }
0x3e: {  	_ =	shalt  }
0x3f: {  	_ =	shalt  }
0x40: {  	_ =	shalt  }
0x41: {  	_ =	shalt  }
0x42: {  	_ =	shalt  }
0x43: {  	_ =	shalt  }
0x44: {  	_ =	shalt  }
0x45: {  	_ =	shalt  }
0x46: {  	_ =	shalt  }
0x47: {  	_ =	shalt  }
0x48: {  	_ =	shalt  }
0x49: {  	_ =	shalt  }
0x4a: {  	_ =	shalt  }
0x4b: {  	_ =	shalt  }
0x4c: {  	_ =	shalt  }
0x4d: {  	_ =	shalt  }
0x4e: {  	_ =	shalt  }
0x4f: {  	_ =	shalt  }
0x50: {  	_ =	shalt  }
0x51: {  	_ =	shalt  }
0x52: {  	_ =	shalt  }
0x53: {  	_ =	shalt  }
0x54: {  	_ =	shalt  }
0x55: {  	_ =	shalt  }
0x56: {  	_ =	shalt  }
0x57: {  	_ =	shalt  }
0x58: {  	_ =	shalt  }
0x59: {  	_ =	shalt  }
0x5a: {  	_ =	shalt  }
0x5b: {  	_ =	shalt  }
0x5c: {  	_ =	shalt  }
0x5d: {  	_ =	shalt  }
0x5e: {  	_ =	shalt  }
0x5f: {  	_ =	shalt  }
0x60: {  	_ =	shalt  }
0x61: {  	_ =	shalt  }
0x62: {  	_ =	shalt  }
0x63: {  	_ =	shalt  }
0x64: {  	_ =	shalt  }
0x65: {  	_ =	shalt  }
0x66: {  	_ =	shalt  }
0x67: {  	_ =	shalt  }
0x68: {  	_ =	shalt  }
0x69: {  	_ =	shalt  }
0x6a: {  	_ =	shalt  }
0x6b: {  	_ =	shalt  }
0x6c: {  	_ =	shalt  }
0x6d: {  	_ =	shalt  }
0x6e: {  	_ =	shalt  }
0x6f: {  	_ =	shalt  }
0x70: {  	_ =	shalt  }
0x71: {  	_ =	shalt  }
0x72: {  	_ =	shalt  }
0x73: {  	_ =	shalt  }
0x74: {  	_ =	shalt  }
0x75: {  	_ =	shalt  }
0x76: {  	_ =	shalt  }
0x77: {  	_ =	shalt  }
0x78: {  	_ =	shalt  }
0x79: {  	_ =	shalt  }
0x7a: {  	_ =	shalt  }
0x7b: {  	_ =	shalt  }
0x7c: {  	_ =	shalt  }
0x7d: {  	_ =	shalt  }
0x7e: {  	_ =	shalt  }
0x7f: {  	_ =	shalt  }
0x80: {  	_ =	shalt  }
0x81: {  	_ =	shalt  }
0x82: {  	_ =	shalt  }
0x83: {  	_ =	shalt  }
0x84: {  	_ =	shalt  }
0x85: {  	_ =	shalt  }
0x86: {  	_ =	shalt  }
0x87: {  	_ =	shalt  }
.Lfunc_end0:
.L_simem_size_0:
called_computation_lowered:
.L_overlay_start_0:
0x88: {  	s2 =	sld [smem:$0x3FD9]  }
0x89: {  	s3 =	sld [smem:$0x3FFE];
	_ =	sdelay $0x1  }
0x8a: {  	s1 =	srdreg.scid  }
0x8b: {  	s0 =	sand.u32 $0x1, s1  }
0x8c: {  	s16 =	sshll.u32 s0, $0xA;
	s2 =	sadd.s32 s3, s2  }
0x8d: {  	s2 =	sadd.s32 s2, s16  }
0x8e: {  	[smem:$0x3FC0] =	sst s2  }
0x8f: {  	_ = 	snop  }
0x90: {  	(tm) =	ssettm $0x1  }
0x91: {  	s17 =	sld [smem:$0x3FFB];
	_ =	sdelay $0x3  }
0x92: {  	_ =	strace s17  }
0x93: {  	s2 =	sld [smem:$0x3FFC];
	_ =	sdelay $0x3  }
0x94: {  	_ =	strace s2  }
0x95: {  	s2 =	sld [smem:$0x3FFD];
	_ =	sdelay $0x3  }
0x96: {  	_ =	strace s2  }
0x97: {  	_ =	strace $0x8FFFFFFF  }
0x98: {  	s18 =	sld [smem:$0x3FDB];
	_ =	sdelay $0x1  }
0x99: {  	s19 =	simm.s32 $_scs_section_size  }
0x9a: {  	s4 =	simm.s32 $_size__tile_overlayer_lowered;
	s5 =	simm.s32 $_tile_overlayer_lowered  }
0x9b: {  	s22 =	simm.s32 $0x1BFF;
	s21 =	sshll.u32 s5, $0x1;
	s2 =	sadd.s32 s19, s18  }
0x9c: {  	s6 =	simm.s32 $0x0;
	s20 =	sshll.u32 s4, $0x1;
	s4 =	sadd.s32 s21, s2  }
0x9d: {  	[timem:s6], [sflag:s22] =	dma.local [hbm:s4], s20  }
0x9e: {  	_ =	swait.ge [sflag:s22], s20  }
0x9f: {  	s3 =	ssub.s32 $0x0, s20;
	[sflag:s22] =	ssyncset.done $0x0  }
0xa0: {  	[sflag:s22] =	ssyncadd.s32 s3;
	_ =	sdelay $0x1  }
0xa1: {  	s23 =	simm.s32 $0x1B8B  }
0xa2: {  	_ =	swait.ge [sflag:s23], $0x1  }
0xa3: {  	[sflag:s23] =	ssyncset.done $0x0  }
0xa4: {  	s25 =	simm.s32 $0x1B8E;
	s24 =	sld [smem:$0x3FFE];
	[sflag:s23] =	ssyncadd.s32 $0xFFFFFFFF  }
0xa5: {  	s26 =	simm.s32 $execute0_lowered;
	[smem:$0x3FD2] =	sst s25  }
0xa6: {  	s4 =	sshll.u32 s26, $0x1;
	_ =	strace $0x80000046;
	[dreg:$0x1] =	wrdreg $0xFFFFFFFF  }
0xa7: {  	s28 =	simm.s32 $_size_execute0_lowered;
	s2 =	sadd.s32 s2, s4;
	[dreg:$0x0] =	wrdreg $0x0  }
0xa8: {  	s4 =	sshll.u32 s28, $0x1;
	[dreg:$0x2] =	wrdreg s2  }
0xa9: {  	[dreg:$0x3] =	wrdreg s4  }
0xaa: {  	[dreg:$0x4] =	wrdreg $0xC0  }
0xab: {  	_ =	task [dreg:s6], $0x5FFFF  }
0xac: {  	[dreg:$0x1] =	wrdreg $0xFFFFFFFF  }
0xad: {  	[dreg:$0x0] =	wrdreg $0x60  }
0xae: {  	[dreg:$0x2] =	wrdreg s24  }
0xaf: {  	[dreg:$0x3] =	wrdreg $0x9  }
0xb0: {  	_ =	task.clear_ibuf [dreg:s6], $0x4FFFF;
	_ =	strace $0x90000046  }
0xb1: {  	s29 =	simm.s32 $0x9;
	_ =	strace $0x80000048  }
0xb2: {  	_ =	swait.ge [sflag:s29], $0x1  }
0xb3: {  	[sflag:s29] =	ssyncadd.s32 $0xFFFFFFFF  }
0xb4: {  	_ =	strace $0x90000048  }
0xb5: {  	_ =	sfence  }
0xb6: {  	s30 =	sld [smem:$0x0];
	_ =	sdelay $0x2  }
0xb7: {  	s31 =	sshll.u32 s1, $0xD;
	s1 =	sshrl.u32 s1, $0x2  }
0xb8: {  	s3 =	sand.u32 $0x4000, s31;
	s1 =	sadd.s32 s1, s30  }
0xb9: {  	s0 =	sor.u32 s3, s0;
	s1 =	sshll.u32 s1, $0x11  }
0xba: {  	s0 =	sor.u32 s1, s0  }
0xbb: {  	s0 =	sadd.s32 $0x8F2B, s0  }
0xbc: {  	[sflag:s0] =	ssyncadd.remote.s32 $0x1  }
0xbd: {  	_ =	sfence.sel $0xFFFF  }
0xbe: {  	[dreg:$0x0] =	wrdreg $0xFFFFFFFF;
	(pc) =	sbr.abs _section_cstart, $3  }
0xbf: {  	[dreg:$0x1] =	wrdreg $0xFFFFFFFF  }
0xc0: {  	_ =	task.clear_ibuf [dreg:s6], $0x2FFFF;
	_ =	strace $0x9FFFFFFF  }
0xc1: {  	(tm) =	ssettm $0x7FFFFFFF  }
tec
execute0_lowered:
.L_overlay_start_1:
0x0: {  	(tag) =	ssettag $0x1  }
0x1: {  	s3 =	rddreg [dreg:$0x0]  }
0x2: {  	s0 =	rddreg [dreg:$0x1];
	s4 =	srdreg.scid  }
0x3: {  	s1 =	stileid.u32;
	s2 =	simm.s32 $0x0;
	s10 =	simm.s32 $0x4000  }
0x4: {  	s11 =	simm.s32 $0x8000;
	s12 =	simm.s32 $0x1;
	s13 =	simm.s32 $0xC000  }
0x5: {  	s14 =	simm.s32 $0xC008;
	s15 =	simm.s32 $0x2;
	s16 =	simm.s32 $0xE018  }
0x6: {  	s17 =	simm.s32 $0x10028;
	s4 =	sand.u32 $0x1, s4;
	s5 =	sshll.u32 s1, $0x1  }
0x7: {  	s18 =	simm.s32 $0x0;
	[smem:$0x7FF] =	sst s2;
	s5 =	sor.u32 s4, s5  }
0x8: {  	_ =	strace $0x80000047;
	s4 =	ssub.s32 $0x2, s4;
	s6 =	sshll.u32 s5, $0xB  }
0x9: {  	s5 =	sshll.u32 s5, $0xA;
	s7 =	sshrl.u32 s4, $0x1;
	s6 =	sadd.s32 s6, s3  }
0xa: {  	s8 =	sadd.s32 s5, s3;
	s9 =	ssub.s32 s4, s7;
	s3 =	sadd.s32 $0x1200, s6  }
0xb: {  	s4 =	sadd.s32 $0x11200, s6;
	s5 =	sadd.s32 $0x21200, s6;
	s6 =	sadd.s32 $0x31200, s8  }
0xc: {  	v0 =	vimm.f32 $0.0e+00;
	v1 =	vimm.f32 $1.000000000e+00;
	s7 =	sadd.s32 $0x39200, s8;
	s8 =	sadd.s32 $0x41200, s8;
	s9 =	smax.u32 s9, $0x1  }
.LBB2_1:
0xd: {  	[tilespmem:s2], [sflag:$0x1] =	stream.linear.gather [hbm4b:s3+s2], $0x4000, $0x38;
	[tilespmem:$0x12080] =	vst v63  }
0xe: {  	_ = 	snop  }
0xf: {  	[tilespmem:s10], [sflag:$0x1] =	stream.linear.gather [hbm4b:s4+s2], $0x4000, $0x38;
	[tilespmem:$0x12080] =	vst v63  }
0x10: {  	s19 =	simm.s32 $0xC080  }
0x11: {  	[tilespmem:s11], [sflag:$0x1] =	stream.linear.gather [hbm4b:s5+s2], $0x4000, $0x38;
	[tilespmem:$0x12080] =	vst v63  }
0x12: {  	[tilespmem:s19+$0xFFFFFF80] =	vst v0  }
0x13: {  	[tilespmem:s19+$0x70] =	vst v0  }
0x14: {  	[tilespmem:s19+$0x60] =	vst v0  }
0x15: {  	[tilespmem:s19+$0x50] =	vst v0  }
0x16: {  	[tilespmem:s19+$0x40] =	vst v0  }
0x17: {  	[tilespmem:s19+$0x30] =	vst v0  }
0x18: {  	[tilespmem:s19+$0x20] =	vst v0  }
0x19: {  	[tilespmem:s19+$0x10] =	vst v0  }
0x1a: {  	[tilespmem:s19+$0x0] =	vst v0  }
0x1b: {  	[tilespmem:s19+$0xFFFFFFF0] =	vst v0  }
0x1c: {  	[tilespmem:s19+$0xFFFFFFE0] =	vst v0  }
0x1d: {  	[tilespmem:s19+$0xFFFFFFD0] =	vst v0  }
0x1e: {  	[tilespmem:s19+$0xFFFFFFC0] =	vst v0  }
0x1f: {  	[tilespmem:s19+$0xFFFFFFB0] =	vst v0  }
0x20: {  	s20 =	simm.s32 $0x0;
	[tilespmem:s19+$0xFFFFFFA0] =	vst v0  }
.LBB2_2:
0x21: {  	s20 =	sadd.s32 $0x10, s20;
	[tilespmem:s19+$0xFFFFFF90] =	vst v0;
	s19 =	sadd.s32 $0x100, s19  }
0x22: {  	[tilespmem:s19+$0xFFFFFF80] =	vst v0;
	p0 =	slt.u32 s20, $0x5F0  }
0x23: {  	[tilespmem:s19+$0x70] =	vst v0  }
0x24: {  	[tilespmem:s19+$0x60] =	vst v0  }
0x25: {  	[tilespmem:s19+$0x50] =	vst v0  }
0x26: {  	[tilespmem:s19+$0x40] =	vst v0  }
0x27: {  	[tilespmem:s19+$0x30] =	vst v0  }
0x28: {  	[tilespmem:s19+$0x20] =	vst v0  }
0x29: {  	[tilespmem:s19+$0x10] =	vst v0  }
0x2a: {  	[tilespmem:s19+$0x0] =	vst v0  }
0x2b: {  	[tilespmem:s19+$0xFFFFFFF0] =	vst v0  }
.Ltmp0:
0x2c: {  	[tilespmem:s19+$0xFFFFFFE0] =	vst v0;
	(pc) =	sbr.rel @p0 .LBB2_2-.Ltmp0, $4  }
0x2d: {  	[tilespmem:s19+$0xFFFFFFD0] =	vst v0  }
0x2e: {  	[tilespmem:s19+$0xFFFFFFC0] =	vst v0  }
0x2f: {  	[tilespmem:s19+$0xFFFFFFB0] =	vst v0  }
0x30: {  	[tilespmem:s19+$0xFFFFFFA0] =	vst v0  }
0x31: {  	[tilespmem:s19+$0xFFFFFF90] =	vst v0;
	s19 =	simm.s32 $0x0  }
.LBB2_4:
0x32: {  	p0 =	sne.s32 s19, $0x80  }
.Ltmp1:
0x33: {  	_ = 	snop;
	(pc) =	sbr.rel @p0 .LBB2_4-.Ltmp1, $3  }
0x34: {  	_ =	sdelay $0x1  }
0x35: {  	s20 =	sshra.s32 s19, $0x2  }
0x36: {  	s19 =	sadd.s32 $0x40, s19;
	[tilespmem:s20+$0x12000] =	vst v0  }
0x37: {  	_ =	swait.ge [sflag:s12], $0x4000  }
0x38: {  	[sflag:s12] =	ssyncset.done $0x0  }
0x39: {  	s19 =	simm.s32 $0x80;
	[sflag:s12] =	ssyncadd.s32 $0xFFFFC000  }
0x3a: {  	v2 =	vld [tilespmem:s19+$0x70]  }
0x3b: {  	v3 =	vld [tilespmem:s19+$0xFFFFFF90]  }
0x3c: {  	v4 =	vld [tilespmem:s19+$0xFFFFFFA0]  }
0x3d: {  	v5 =	vld [tilespmem:s19+$0xFFFFFFB0]  }
0x3e: {  	v6 =	vld [tilespmem:s19+$0xFFFFFFC0]  }
0x3f: {  	v7 =	vld [tilespmem:s19+$0xFFFFFFD0]  }
0x40: {  	v8 =	vld [tilespmem:s19+$0xFFFFFFE0]  }
0x41: {  	v9 =	vld [tilespmem:s19+$0xFFFFFFF0]  }
0x42: {  	v10 =	vld [tilespmem:s19+$0x0]  }
0x43: {  	v11 =	vld [tilespmem:s19+$0x10]  }
0x44: {  	v12 =	vld [tilespmem:s19+$0x20]  }
0x45: {  	v13 =	vld [tilespmem:s19+$0x30]  }
0x46: {  	v14 =	vld [tilespmem:s19+$0x40]  }
0x47: {  	v15 =	vld [tilespmem:s19+$0x50];
	v2 =	vadd.f32 $2.000000000e+00, v2;
	v3 =	vadd.f32 $2.000000000e+00, v3  }
0x48: {  	v16 =	vld [tilespmem:s19+$0x60];
	v4 =	vadd.f32 $2.000000000e+00, v4;
	v5 =	vadd.f32 $2.000000000e+00, v5  }
0x49: {  	s31 =	simm.s32 $0x180;
	v17 =	vld [tilespmem:s19+$0xFFFFFF80];
	v6 =	vadd.f32 $2.000000000e+00, v6;
	v7 =	vadd.f32 $2.000000000e+00, v7  }
0x4a: {  	v29 =	vld [tilespmem:s31+$0x30];
	v8 =	vadd.f32 $2.000000000e+00, v8;
	v9 =	vadd.f32 $2.000000000e+00, v9  }
0x4b: {  	v30 =	vld [tilespmem:s31+$0x40];
	v10 =	vadd.f32 $2.000000000e+00, v10;
	v11 =	vadd.f32 $2.000000000e+00, v11  }
0x4c: {  	v31 =	vld [tilespmem:s31+$0x50];
	v12 =	vadd.f32 $2.000000000e+00, v12;
	v13 =	vadd.f32 $2.000000000e+00, v13  }
0x4d: {  	v32 =	vld [tilespmem:s31+$0x60];
	v14 =	vadd.f32 $2.000000000e+00, v14;
	v15 =	vadd.f32 $2.000000000e+00, v15  }
0x4e: {  	v33 =	vld [tilespmem:s31+$0xFFFFFF80];
	v16 =	vadd.f32 $2.000000000e+00, v16;
	v17 =	vadd.f32 $2.000000000e+00, v17  }
0x4f: {  	v29 =	vadd.f32 $2.000000000e+00, v29;
	v2 =	vmul.f32 $2.048000000e+03, v2;
	v3 =	vmul.f32 $2.048000000e+03, v3  }
0x50: {  	v53 =	vadd.f32 $2.000000000e+00, v30;
	v4 =	vmul.f32 $2.048000000e+03, v4;
	v5 =	vmul.f32 $2.048000000e+03, v5  }
0x51: {  	v54 =	vadd.f32 $2.000000000e+00, v31;
	v6 =	vmul.f32 $2.048000000e+03, v6;
	v7 =	vmul.f32 $2.048000000e+03, v7  }
0x52: {  	v55 =	vadd.f32 $2.000000000e+00, v32;
	v8 =	vmul.f32 $2.048000000e+03, v8;
	v9 =	vmul.f32 $2.048000000e+03, v9  }
0x53: {  	v56 =	vadd.f32 $2.000000000e+00, v33;
	v10 =	vmul.f32 $2.048000000e+03, v10;
	v11 =	vmul.f32 $2.048000000e+03, v11  }
0x54: {  	v12 =	vmul.f32 $2.048000000e+03, v12;
	v2 =	vadd.f32 $1.258291200e+07, v2;
	v3 =	vadd.f32 $1.258291200e+07, v3  }
0x55: {  	v13 =	vmul.f32 $2.048000000e+03, v13;
	v4 =	vadd.f32 $1.258291200e+07, v4;
	v5 =	vadd.f32 $1.258291200e+07, v5  }
0x56: {  	v14 =	vmul.f32 $2.048000000e+03, v14;
	v6 =	vadd.f32 $1.258291200e+07, v6;
	v7 =	vadd.f32 $1.258291200e+07, v7  }
0x57: {  	v15 =	vmul.f32 $2.048000000e+03, v15;
	v8 =	vadd.f32 $1.258291200e+07, v8;
	v9 =	vadd.f32 $1.258291200e+07, v9  }
0x58: {  	v17 =	vmul.f32 $2.048000000e+03, v17;
	v10 =	vadd.f32 $1.258291200e+07, v10;
	v11 =	vadd.f32 $1.258291200e+07, v11  }
0x59: {  	v16 =	vmul.f32 $2.048000000e+03, v16;
	v12 =	vadd.f32 $1.258291200e+07, v12;
	v13 =	vadd.f32 $1.258291200e+07, v13  }
0x5a: {  	v29 =	vmul.f32 $2.048000000e+03, v29;
	v17 =	vadd.f32 $1.258291200e+07, v17;
	v14 =	vadd.f32 $1.258291200e+07, v14  }
0x5b: {  	v15 =	vadd.f32 $1.258291200e+07, v15;
	v16 =	vadd.f32 $1.258291200e+07, v16  }
0x5c: {  	v29 =	vadd.f32 $1.258291200e+07, v29;
	v2 =	vadd.f32 $-1.258291200e+07, v2  }
0x5d: {  	v17 =	vadd.f32 $-1.258291200e+07, v17;
	v3 =	vadd.f32 $-1.258291200e+07, v3  }
0x5e: {  	v4 =	vadd.f32 $-1.258291200e+07, v4;
	v5 =	vadd.f32 $-1.258291200e+07, v5  }
0x5f: {  	v6 =	vadd.f32 $-1.258291200e+07, v6;
	v7 =	vadd.f32 $-1.258291200e+07, v7  }
0x60: {  	v8 =	vadd.f32 $-1.258291200e+07, v8;
	v9 =	vadd.f32 $-1.258291200e+07, v9  }
0x61: {  	v30 =	vmul.f32 $2.048000000e+03, v54;
	v10 =	vadd.f32 $-1.258291200e+07, v10;
	v11 =	vadd.f32 $-1.258291200e+07, v11  }
0x62: {  	v31 =	vmul.f32 $2.048000000e+03, v55;
	v12 =	vadd.f32 $-1.258291200e+07, v12;
	v13 =	vadd.f32 $-1.258291200e+07, v13  }
0x63: {  	v32 =	vmul.f32 $2.048000000e+03, v56;
	v14 =	vadd.f32 $-1.258291200e+07, v14;
	v15 =	vadd.f32 $-1.258291200e+07, v15  }
0x64: {  	v16 =	vadd.f32 $-1.258291200e+07, v16;
	v2 =	vmax.f32 v2, $-1.000000000e+00;
	v17 =	vmax.f32 v17, $-1.000000000e+00  }
0x65: {  	v3 =	vmax.f32 v3, $-1.000000000e+00;
	v4 =	vmax.f32 v4, $-1.000000000e+00;
	v5 =	vmax.f32 v5, $-1.000000000e+00  }
0x66: {  	v6 =	vmax.f32 v6, $-1.000000000e+00;
	v7 =	vmax.f32 v7, $-1.000000000e+00;
	v8 =	vmax.f32 v8, $-1.000000000e+00  }
0x67: {  	v9 =	vmax.f32 v9, $-1.000000000e+00;
	v10 =	vmax.f32 v10, $-1.000000000e+00;
	v11 =	vmax.f32 v11, $-1.000000000e+00  }
0x68: {  	v12 =	vmax.f32 v12, $-1.000000000e+00;
	v13 =	vmax.f32 v13, $-1.000000000e+00;
	v14 =	vmax.f32 v14, $-1.000000000e+00  }
0x69: {  	v15 =	vmax.f32 v15, $-1.000000000e+00;
	v16 =	vmax.f32 v16, $-1.000000000e+00;
	v2 =	vmin.f32 v2, $8.192000000e+03  }
0x6a: {  	v17 =	vmin.f32 v17, $8.192000000e+03;
	v3 =	vmin.f32 v3, $8.192000000e+03;
	v4 =	vmin.f32 v4, $8.192000000e+03  }
0x6b: {  	v5 =	vmin.f32 v5, $8.192000000e+03;
	v6 =	vmin.f32 v6, $8.192000000e+03;
	v7 =	vmin.f32 v7, $8.192000000e+03  }
0x6c: {  	v8 =	vmin.f32 v8, $8.192000000e+03;
	v9 =	vmin.f32 v9, $8.192000000e+03;
	v2 =	vtrunc.f32 v2  }
0x6d: {  	v10 =	vmin.f32 v10, $8.192000000e+03;
	v17 =	vtrunc.f32 v17;
	v3 =	vtrunc.f32 v3  }
0x6e: {  	v11 =	vmin.f32 v11, $8.192000000e+03;
	v4 =	vtrunc.f32 v4;
	v5 =	vtrunc.f32 v5  }
0x6f: {  	v12 =	vmin.f32 v12, $8.192000000e+03;
	v6 =	vtrunc.f32 v6;
	v7 =	vtrunc.f32 v7  }
0x70: {  	v13 =	vmin.f32 v13, $8.192000000e+03;
	v8 =	vtrunc.f32 v8;
	v9 =	vtrunc.f32 v9  }
0x71: {  	v14 =	vmin.f32 v14, $8.192000000e+03;
	v18 =	vtrunc.f32 v10;
	v11 =	vtrunc.f32 v11  }
0x72: {  	v10 =	vmin.f32 v15, $8.192000000e+03;
	v12 =	vtrunc.f32 v12;
	v13 =	vtrunc.f32 v13  }
0x73: {  	v15 =	vmin.f32 v16, $8.192000000e+03;
	v14 =	vtrunc.f32 v14;
	v2 =	vcvt.f32.s32 v2  }
0x74: {  	v20 =	vld [tilespmem:s31+$0xFFFFFF90];
	v31 =	vadd.f32 $1.258291200e+07, v31;
	v19 =	vtrunc.f32 v10;
	v15 =	vtrunc.f32 v15  }
0x75: {  	v26 =	vld [tilespmem:s31+$0xFFFFFFC0];
	v30 =	vadd.f32 $1.258291200e+07, v30;
	v10 =	vcvt.f32.s32 v17;
	v3 =	vcvt.f32.s32 v3  }
0x76: {  	v28 =	vld [tilespmem:s31+$0xFFFFFFD0];
	v61 =	vadd.f32 $-1.258291200e+07, v31;
	v21 =	vcvt.f32.s32 v4;
	v22 =	vcvt.f32.s32 v5  }
0x77: {  	v60 =	vadd.f32 $-1.258291200e+07, v30;
	v16 =	vld [tilespmem:s31+$0x70];
	v24 =	vcvt.f32.s32 v6;
	v25 =	vcvt.f32.s32 v7  }
0x78: {  	v30 =	vmax.f32 v61, $-1.000000000e+00;
	v4 =	vld [tilespmem:s31+$0xFFFFFFB0];
	v9 =	vcvt.f32.s32 v9;
	v7 =	vcvt.f32.s32 v11  }
0x79: {  	v11 =	vadd.f32 $2.000000000e+00, v20;
	v6 =	vcvt.f32.s32 v12;
	v5 =	vcvt.f32.s32 v13;
	v13 =	vld [tilespmem:s31+$0xFFFFFFF0]  }
0x7a: {  	v20 =	vld [tilespmem:s31+$0x10];
	v17 =	vadd.s32 $0x8, v2;
	v23 =	vadd.s32 $0x8, v10;
	v10 =	vcvt.f32.s32 v8  }
0x7b: {  	v52 =	vld [tilespmem:s31+$0x20];
	v27 =	vadd.s32 $0x8, v3;
	v8 =	vcvt.f32.s32 v18;
	v11 =	vmul.f32 $2.048000000e+03, v11  }
0x7c: {  	v2 =	vld [tilespmem:s31+$0xFFFFFFA0];
	v21 =	vadd.s32 $0x8, v21;
	v58 =	vadd.s32 $0x8, v22;
	v35 =	vadd.s32 $0x8, v24  }
0x7d: {  	v59 =	vadd.s32 $0x8, v25;
	v6 =	vadd.s32 $0x8, v6;
	v3 =	vadd.f32 $2.000000000e+00, v16  }
0x7e: {  	v5 =	vadd.s32 $0x8, v5;
	v11 =	vadd.f32 $1.258291200e+07, v11;
	v4 =	vadd.f32 $2.000000000e+00, v4  }
0x7f: {  	v13 =	vadd.f32 $2.000000000e+00, v13;
	v20 =	vadd.f32 $2.000000000e+00, v20;
	v18 =	vmul.f32 $2.048000000e+03, v3  }
0x80: {  	v16 =	vld [tilespmem:s31+$0xFFFFFFE0];
	v3 =	vcvt.f32.s32 v19;
	v19 =	vadd.f32 $2.000000000e+00, v26;
	v26 =	vadd.f32 $2.000000000e+00, v28  }
0x81: {  	v28 =	vadd.f32 $2.000000000e+00, v52;
	v12 =	vadd.f32 $2.000000000e+00, v2;
	v2 =	vcvt.f32.s32 v14  }
0x82: {  	v11 =	vadd.f32 $-1.258291200e+07, v11;
	v4 =	vmul.f32 $2.048000000e+03, v4;
	v13 =	vmul.f32 $2.048000000e+03, v13;
	[tilespmem:v23+s13+$0x0] =	vst.idx.msk $0xffff, v1  }
0x83: {  	v20 =	vmul.f32 $2.048000000e+03, v20;
	[tilespmem:v27+s13+$0x0] =	vst.idx.msk $0xffff, v1;
	v27 =	vadd.s32 $0x8, v10;
	v23 =	vadd.s32 $0x8, v7  }
0x84: {  	v18 =	vadd.f32 $1.258291200e+07, v18;
	v19 =	vmul.f32 $2.048000000e+03, v19;
	v26 =	vmul.f32 $2.048000000e+03, v26  }
0x85: {  	v11 =	vmax.f32 v11, $-1.000000000e+00;
	v16 =	vadd.f32 $2.000000000e+00, v16;
	v34 =	vadd.f32 $1.258291200e+07, v4  }
0x86: {  	v12 =	vmul.f32 $2.048000000e+03, v12;
	v13 =	vadd.f32 $1.258291200e+07, v13;
	v20 =	vadd.f32 $1.258291200e+07, v20  }
0x87: {  	v14 =	vld [tilespmem:s31+$0x0];
	v4 =	vmul.f32 $2.048000000e+03, v28;
	v18 =	vadd.f32 $-1.258291200e+07, v18;
	v19 =	vadd.f32 $1.258291200e+07, v19  }
0x88: {  	v28 =	vmul.f32 $2.048000000e+03, v53;
	v26 =	vadd.f32 $1.258291200e+07, v26;
	v12 =	vadd.f32 $1.258291200e+07, v12  }
0x89: {  	v57 =	vadd.f32 $1.258291200e+07, v4;
	v4 =	vcvt.f32.s32 v15;
	v15 =	vadd.f32 $1.258291200e+07, v32  }
0x8a: {  	v62 =	vmin.f32 v11, $8.192000000e+03;
	v28 =	vadd.f32 $1.258291200e+07, v28;
	v22 =	vadd.f32 $-1.258291200e+07, v34  }
0x8b: {  	v11 =	vmin.f32 v30, $8.192000000e+03;
	v13 =	vadd.f32 $-1.258291200e+07, v13;
	v20 =	vadd.f32 $-1.258291200e+07, v20  }
0x8c: {  	v16 =	vmul.f32 $2.048000000e+03, v16;
	v14 =	vadd.f32 $2.000000000e+00, v14;
	v19 =	vadd.f32 $-1.258291200e+07, v19  }
0x8d: {  	v18 =	vmax.f32 v18, $-1.000000000e+00;
	v24 =	vadd.f32 $-1.258291200e+07, v26;
	v26 =	vadd.f32 $-1.258291200e+07, v29  }
0x8e: {  	v29 =	vmax.f32 v60, $-1.000000000e+00;
	v18 =	vmin.f32 v18, $8.192000000e+03;
	v16 =	vadd.f32 $1.258291200e+07, v16  }
0x8f: {  	v15 =	vadd.f32 $-1.258291200e+07, v15;
	v12 =	vadd.f32 $-1.258291200e+07, v12;
	v22 =	vmax.f32 v22, $-1.000000000e+00  }
0x90: {  	v25 =	vadd.f32 $-1.258291200e+07, v57;
	v28 =	vadd.f32 $-1.258291200e+07, v28;
	v13 =	vmax.f32 v13, $-1.000000000e+00  }
0x91: {  	v20 =	vmax.f32 v20, $-1.000000000e+00;
	v14 =	vmul.f32 $2.048000000e+03, v14;
	v18 =	vtrunc.f32 v18  }
0x92: {  	v19 =	vmax.f32 v19, $-1.000000000e+00;
	v24 =	vmax.f32 v24, $-1.000000000e+00;
	v26 =	vmax.f32 v26, $-1.000000000e+00  }
0x93: {  	v36 =	vmin.f32 v22, $8.192000000e+03;
	v13 =	vmin.f32 v13, $8.192000000e+03;
	v38 =	vmin.f32 v20, $8.192000000e+03  }
0x94: {  	v22 =	vtrunc.f32 v62;
	v18 =	vcvt.f32.s32 v18;
	v15 =	vmax.f32 v15, $-1.000000000e+00  }
0x95: {  	v16 =	vadd.f32 $-1.258291200e+07, v16;
	v12 =	vmax.f32 v12, $-1.000000000e+00;
	v25 =	vmax.f32 v25, $-1.000000000e+00  }
0x96: {  	v28 =	vmax.f32 v28, $-1.000000000e+00;
	v37 =	vmin.f32 v19, $8.192000000e+03;
	v24 =	vmin.f32 v24, $8.192000000e+03  }
0x97: {  	[tilespmem:v21+s13+$0x0] =	vst.idx.msk $0xffff, v1;
	v26 =	vmin.f32 v26, $8.192000000e+03;
	v21 =	vtrunc.f32 v36;
	v18 =	vadd.s32 $0x8, v18  }
0x98: {  	v14 =	vadd.f32 $1.258291200e+07, v14;
	v15 =	vmin.f32 v15, $8.192000000e+03;
	v63 =	vmin.f32 v12, $8.192000000e+03  }
0x99: {  	[tilespmem:v17+s13+$0x0] =	vst.idx.msk $0xffff, v1;
	v39 =	vmin.f32 v25, $8.192000000e+03;
	v17 =	vtrunc.f32 v37;
	v25 =	vadd.s32 $0x8, v9  }
0x9a: {  	v16 =	vmax.f32 v16, $-1.000000000e+00;
	v20 =	vtrunc.f32 v15;
	v14 =	vadd.f32 $-1.258291200e+07, v14  }
0x9b: {  	[tilespmem:v58+s13+$0x0] =	vst.idx.msk $0xffff, v1;
	v19 =	vtrunc.f32 v63;
	v15 =	vtrunc.f32 v26;
	v16 =	vmin.f32 v16, $8.192000000e+03  }
0x9c: {  	v14 =	vmax.f32 v14, $-1.000000000e+00;
	[tilespmem:v18+s13+$0x0] =	vst.idx.msk $0xffff, v1;
	v18 =	vtrunc.f32 v24;
	v24 =	vadd.s32 $0x8, v8  }
0x9d: {  	[tilespmem:v35+s13+$0x0] =	vst.idx.msk $0xffff, v1;
	v10 =	vtrunc.f32 v16;
	v16 =	vtrunc.f32 v38;
	v14 =	vmin.f32 v14, $8.192000000e+03  }
0x9e: {  	[tilespmem:v59+s13+$0x0] =	vst.idx.msk $0xffff, v1;
	v28 =	vmin.f32 v28, $8.192000000e+03;
	v8 =	vtrunc.f32 v13;
	v9 =	vtrunc.f32 v14  }
0x9f: {  	s20 =	simm.s32 $0x280;
	s19 =	simm.s32 $0x10;
	[tilespmem:v27+s13+$0x0] =	vst.idx.msk $0xffff, v1;
	v12 =	vmin.f32 v29, $8.192000000e+03;
	v14 =	vtrunc.f32 v39;
	v13 =	vtrunc.f32 v28  }
.LBB2_6:
0xa0: {  	v7 =	vld [tilespmem:s20+$0x70];
	s19 =	sadd.s32 $0x10, s19;
	v12 =	vtrunc.f32 v12;
	v11 =	vtrunc.f32 v11;
	[tilespmem:v25+s13+$0x0] =	vst.idx.msk $0xffff, v1;
	v2 =	vadd.s32 $0x8, v2  }
0xa1: {  	v20 =	vcvt.f32.s32 v20;
	v22 =	vcvt.f32.s32 v22;
	v3 =	vadd.s32 $0x8, v3;
	v25 =	vld [tilespmem:s20+$0xFFFFFF90];
	p0 =	slt.u32 s19, $0x3F0;
	[tilespmem:v24+s13+$0x0] =	vst.idx.msk $0xffff, v1  }
0xa2: {  	v19 =	vcvt.f32.s32 v19;
	v21 =	vcvt.f32.s32 v21;
	v4 =	vadd.s32 $0x8, v4;
	v24 =	vld [tilespmem:s20+$0xFFFFFFA0];
	[tilespmem:v23+s13+$0x0] =	vst.idx.msk $0xffff, v1  }
0xa3: {  	v17 =	vcvt.f32.s32 v17;
	v18 =	vcvt.f32.s32 v18;
	v20 =	vadd.s32 $0x8, v20;
	v23 =	vld [tilespmem:s20+$0xFFFFFFB0];
	[tilespmem:v6+s13+$0x0] =	vst.idx.msk $0xffff, v1  }
0xa4: {  	v10 =	vcvt.f32.s32 v10;
	v8 =	vcvt.f32.s32 v8;
	v22 =	vadd.s32 $0x8, v22;
	v26 =	vld [tilespmem:s20+$0xFFFFFFC0];
	[tilespmem:v5+s13+$0x0] =	vst.idx.msk $0xffff, v1  }
0xa5: {  	v9 =	vcvt.f32.s32 v9;
	v6 =	vcvt.f32.s32 v16;
	v27 =	vld [tilespmem:s20+$0xFFFFFFD0];
	v28 =	vadd.f32 $2.000000000e+00, v7;
	[tilespmem:v2+s13+$0x0] =	vst.idx.msk $0xffff, v1  }
0xa6: {  	v5 =	vcvt.f32.s32 v15;
	v7 =	vcvt.f32.s32 v14;
	v16 =	vadd.f32 $2.000000000e+00, v25;
	v25 =	vld [tilespmem:s20+$0xFFFFFFE0];
	[tilespmem:v3+s13+$0x0] =	vst.idx.msk $0xffff, v1  }
0xa7: {  	v2 =	vcvt.f32.s32 v13;
	v14 =	vadd.f32 $2.000000000e+00, v24;
	v15 =	vld [tilespmem:s20+$0xFFFFFFF0];
	v24 =	vmul.f32 $2.048000000e+03, v28;
	[tilespmem:v4+s13+$0x0] =	vst.idx.msk $0xffff, v1  }
0xa8: {  	v3 =	vcvt.f32.s32 v12;
	v4 =	vmul.f32 $2.048000000e+03, v16;
	v13 =	vadd.f32 $2.000000000e+00, v23;
	v16 =	vld [tilespmem:s20+$0x0];
	[tilespmem:v20+s13+$0x0] =	vst.idx.msk $0xffff, v1  }
0xa9: {  	v12 =	vmul.f32 $2.048000000e+03, v14;
	v14 =	vadd.f32 $2.000000000e+00, v26;
	v20 =	vld [tilespmem:s20+$0x10];
	v23 =	vadd.f32 $1.258291200e+07, v24;
	[tilespmem:v22+s13+$0x0] =	vst.idx.msk $0xffff, v1  }
0xaa: {  	v22 =	vadd.f32 $1.258291200e+07, v4;
	v4 =	vmul.f32 $2.048000000e+03, v13;
	v13 =	vadd.f32 $2.000000000e+00, v27;
	v24 =	vld [tilespmem:s20+$0x20]  }
0xab: {  	v14 =	vmul.f32 $2.048000000e+03, v14;
	v25 =	vadd.f32 $2.000000000e+00, v25;
	v26 =	vld [tilespmem:s20+$0x30];
	v23 =	vadd.f32 $-1.258291200e+07, v23  }
0xac: {  	v12 =	vadd.f32 $1.258291200e+07, v12;
	v13 =	vmul.f32 $2.048000000e+03, v13;
	v15 =	vadd.f32 $2.000000000e+00, v15;
	v27 =	vld [tilespmem:s20+$0x40]  }
0xad: {  	v25 =	vmul.f32 $2.048000000e+03, v25;
	v16 =	vadd.f32 $2.000000000e+00, v16;
	v28 =	vld [tilespmem:s20+$0x50];
	v23 =	vmax.f32 v23, $-1.000000000e+00  }
0xae: {  	v15 =	vmul.f32 $2.048000000e+03, v15;
	v20 =	vadd.f32 $2.000000000e+00, v20;
	v29 =	vld [tilespmem:s20+$0x60];
	v23 =	vmin.f32 v23, $8.192000000e+03  }
0xaf: {  	v30 =	vld [tilespmem:s20+$0xFFFFFF80];
	v16 =	vmul.f32 $2.048000000e+03, v16;
	v24 =	vadd.f32 $2.000000000e+00, v24;
	v23 =	vtrunc.f32 v23  }
0xb0: {  	v20 =	vmul.f32 $2.048000000e+03, v20;
	v26 =	vadd.f32 $2.000000000e+00, v26;
	v23 =	vcvt.f32.s32 v23  }
0xb1: {  	v31 =	vadd.f32 $1.258291200e+07, v4;
	v4 =	vmul.f32 $2.048000000e+03, v24;
	v24 =	vadd.f32 $2.000000000e+00, v27  }
0xb2: {  	v26 =	vmul.f32 $2.048000000e+03, v26;
	v27 =	vadd.f32 $2.000000000e+00, v28;
	v23 =	vadd.s32 $0x8, v23  }
0xb3: {  	v14 =	vadd.f32 $1.258291200e+07, v14;
	v24 =	vmul.f32 $2.048000000e+03, v24;
	v28 =	vadd.f32 $2.000000000e+00, v29  }
0xb4: {  	v13 =	vadd.f32 $1.258291200e+07, v13;
	v29 =	vadd.f32 $2.000000000e+00, v30;
	v27 =	vmul.f32 $2.048000000e+03, v27  }
0xb5: {  	v25 =	vadd.f32 $1.258291200e+07, v25;
	v15 =	vadd.f32 $1.258291200e+07, v15;
	v28 =	vmul.f32 $2.048000000e+03, v28  }
0xb6: {  	v16 =	vadd.f32 $1.258291200e+07, v16;
	v20 =	vadd.f32 $1.258291200e+07, v20;
	v29 =	vmul.f32 $2.048000000e+03, v29  }
0xb7: {  	v30 =	vadd.f32 $1.258291200e+07, v4;
	v26 =	vadd.f32 $1.258291200e+07, v26;
	v4 =	vcvt.f32.s32 v11;
	[tilespmem:v23+s13+$0x0] =	vst.idx.msk $0xffff, v1  }
0xb8: {  	v19 =	vadd.s32 $0x8, v19;
	v23 =	vadd.f32 $1.258291200e+07, v24;
	v11 =	vadd.f32 $1.258291200e+07, v29  }
0xb9: {  	v21 =	vadd.s32 $0x8, v21;
	v24 =	vadd.f32 $1.258291200e+07, v27;
	v27 =	vadd.f32 $1.258291200e+07, v28  }
0xba: {  	v17 =	vadd.s32 $0x8, v17;
	v22 =	vadd.f32 $-1.258291200e+07, v22;
	v11 =	vadd.f32 $-1.258291200e+07, v11  }
0xbb: {  	v18 =	vadd.s32 $0x8, v18;
	v12 =	vadd.f32 $-1.258291200e+07, v12;
	v28 =	vadd.f32 $-1.258291200e+07, v31  }
0xbc: {  	v14 =	vadd.f32 $-1.258291200e+07, v14;
	v13 =	vadd.f32 $-1.258291200e+07, v13;
	v11 =	vmax.f32 v11, $-1.000000000e+00  }
0xbd: {  	v22 =	vmax.f32 v22, $-1.000000000e+00;
	v25 =	vadd.f32 $-1.258291200e+07, v25;
	v15 =	vadd.f32 $-1.258291200e+07, v15;
	[tilespmem:v19+s13+$0x0] =	vst.idx.msk $0xffff, v1  }
0xbe: {  	v12 =	vmax.f32 v12, $-1.000000000e+00;
	v16 =	vadd.f32 $-1.258291200e+07, v16;
	v19 =	vadd.f32 $-1.258291200e+07, v20;
	[tilespmem:v21+s13+$0x0] =	vst.idx.msk $0xffff, v1  }
0xbf: {  	v26 =	vadd.f32 $-1.258291200e+07, v26;
	v20 =	vmax.f32 v28, $-1.000000000e+00;
	v21 =	vadd.f32 $-1.258291200e+07, v30;
	[tilespmem:v17+s13+$0x0] =	vst.idx.msk $0xffff, v1  }
0xc0: {  	v14 =	vmax.f32 v14, $-1.000000000e+00;
	v17 =	vadd.f32 $-1.258291200e+07, v23;
	v23 =	vadd.f32 $-1.258291200e+07, v24;
	[tilespmem:v18+s13+$0x0] =	vst.idx.msk $0xffff, v1  }
0xc1: {  	v13 =	vmax.f32 v13, $-1.000000000e+00;
	v24 =	vadd.f32 $-1.258291200e+07, v27;
	v18 =	vmax.f32 v25, $-1.000000000e+00  }
0xc2: {  	v15 =	vmax.f32 v15, $-1.000000000e+00;
	v16 =	vmax.f32 v16, $-1.000000000e+00;
	v19 =	vmax.f32 v19, $-1.000000000e+00  }
0xc3: {  	v21 =	vmax.f32 v21, $-1.000000000e+00;
	v25 =	vmax.f32 v26, $-1.000000000e+00;
	v17 =	vmax.f32 v17, $-1.000000000e+00  }
0xc4: {  	v11 =	vmin.f32 v11, $8.192000000e+03;
	v23 =	vmax.f32 v23, $-1.000000000e+00;
	v24 =	vmax.f32 v24, $-1.000000000e+00  }
0xc5: {  	v22 =	vmin.f32 v22, $8.192000000e+03;
	v27 =	vmin.f32 v20, $8.192000000e+03;
	v26 =	vmin.f32 v12, $8.192000000e+03  }
0xc6: {  	v14 =	vmin.f32 v14, $8.192000000e+03;
	v13 =	vmin.f32 v13, $8.192000000e+03;
	v28 =	vmin.f32 v18, $8.192000000e+03  }
0xc7: {  	v15 =	vmin.f32 v15, $8.192000000e+03;
	v16 =	vmin.f32 v16, $8.192000000e+03;
	v29 =	vmin.f32 v19, $8.192000000e+03  }
0xc8: {  	v30 =	vmin.f32 v21, $8.192000000e+03;
	v31 =	vmin.f32 v25, $8.192000000e+03;
	v32 =	vmin.f32 v17, $8.192000000e+03  }
0xc9: {  	v20 =	vtrunc.f32 v11;
	v12 =	vmin.f32 v23, $8.192000000e+03;
	v11 =	vmin.f32 v24, $8.192000000e+03  }
0xca: {  	v22 =	vtrunc.f32 v22;
	v19 =	vtrunc.f32 v26;
	v26 =	vadd.s32 $0x8, v10  }
.Ltmp2:
0xcb: {  	v21 =	vtrunc.f32 v27;
	v25 =	vadd.s32 $0x8, v8;
	v17 =	vtrunc.f32 v14;
	(pc) =	sbr.rel @p0 .LBB2_6-.Ltmp2, $4  }
0xcc: {  	v18 =	vtrunc.f32 v13;
	v10 =	vtrunc.f32 v28;
	v24 =	vadd.s32 $0x8, v9  }
0xcd: {  	v8 =	vtrunc.f32 v15;
	v9 =	vtrunc.f32 v16;
	v23 =	vadd.s32 $0x8, v6  }
0xce: {  	v16 =	vtrunc.f32 v29;
	v14 =	vtrunc.f32 v30;
	v6 =	vadd.s32 $0x8, v7  }
0xcf: {  	v5 =	vadd.s32 $0x8, v5;
	s20 =	sadd.s32 $0x100, s20;
	v15 =	vtrunc.f32 v31;
	v13 =	vtrunc.f32 v32;
	[tilespmem:v26+s13+$0x0] =	vst.idx.msk $0xffff, v1  }
0xd0: {  	_ =	sdelay $0x3  }
0xd1: {  	[tilespmem:v25+s13+$0x0] =	vst.idx.msk $0xffff, v1;
	v2 =	vadd.s32 $0x8, v2  }
0xd2: {  	v7 =	vcvt.f32.s32 v20;
	[tilespmem:v24+s13+$0x0] =	vst.idx.msk $0xffff, v1;
	v3 =	vadd.s32 $0x8, v3  }
0xd3: {  	v20 =	vcvt.f32.s32 v22;
	[tilespmem:v23+s13+$0x0] =	vst.idx.msk $0xffff, v1;
	v4 =	vadd.s32 $0x8, v4  }
0xd4: {  	v19 =	vcvt.f32.s32 v19;
	[tilespmem:v6+s13+$0x0] =	vst.idx.msk $0xffff, v1;
	v7 =	vadd.s32 $0x8, v7  }
0xd5: {  	v6 =	vcvt.f32.s32 v21;
	[tilespmem:v5+s13+$0x0] =	vst.idx.msk $0xffff, v1;
	v20 =	vadd.s32 $0x8, v20  }
0xd6: {  	v5 =	vcvt.f32.s32 v17;
	[tilespmem:v2+s13+$0x0] =	vst.idx.msk $0xffff, v1;
	v2 =	vadd.s32 $0x8, v19  }
0xd7: {  	v17 =	vcvt.f32.s32 v18;
	[tilespmem:v3+s13+$0x0] =	vst.idx.msk $0xffff, v1;
	v3 =	vadd.s32 $0x8, v6  }
0xd8: {  	v6 =	vcvt.f32.s32 v10;
	[tilespmem:v4+s13+$0x0] =	vst.idx.msk $0xffff, v1;
	v4 =	vadd.s32 $0x8, v5  }
0xd9: {  	v5 =	vcvt.f32.s32 v8;
	[tilespmem:v7+s13+$0x0] =	vst.idx.msk $0xffff, v1;
	v7 =	vadd.s32 $0x8, v17  }
0xda: {  	v8 =	vcvt.f32.s32 v9;
	[tilespmem:v20+s13+$0x0] =	vst.idx.msk $0xffff, v1;
	v6 =	vadd.s32 $0x8, v6  }
0xdb: {  	v9 =	vcvt.f32.s32 v16;
	[tilespmem:v2+s13+$0x0] =	vst.idx.msk $0xffff, v1;
	v2 =	vadd.s32 $0x8, v5  }
0xdc: {  	v5 =	vcvt.f32.s32 v14;
	[tilespmem:v3+s13+$0x0] =	vst.idx.msk $0xffff, v1;
	v3 =	vadd.s32 $0x8, v8  }
0xdd: {  	v8 =	vcvt.f32.s32 v15;
	[tilespmem:v4+s13+$0x0] =	vst.idx.msk $0xffff, v1;
	v4 =	vadd.s32 $0x8, v9  }
0xde: {  	v10 =	vcvt.f32.s32 v13;
	v9 =	vtrunc.f32 v12;
	[tilespmem:v7+s13+$0x0] =	vst.idx.msk $0xffff, v1;
	v5 =	vadd.s32 $0x8, v5  }
0xdf: {  	v9 =	vcvt.f32.s32 v9;
	v7 =	vtrunc.f32 v11;
	[tilespmem:v6+s13+$0x0] =	vst.idx.msk $0xffff, v1;
	v6 =	vadd.s32 $0x8, v8  }
0xe0: {  	v7 =	vcvt.f32.s32 v7;
	[tilespmem:v2+s13+$0x0] =	vst.idx.msk $0xffff, v1;
	v2 =	vadd.s32 $0x8, v10  }
0xe1: {  	[tilespmem:v3+s13+$0x0] =	vst.idx.msk $0xffff, v1;
	v3 =	vadd.s32 $0x8, v9  }
0xe2: {  	[tilespmem:v4+s13+$0x0] =	vst.idx.msk $0xffff, v1;
	v4 =	vadd.s32 $0x8, v7  }
0xe3: {  	[tilespmem:v5+s13+$0x0] =	vst.idx.msk $0xffff, v1  }
0xe4: {  	[tilespmem:v6+s13+$0x0] =	vst.idx.msk $0xffff, v1  }
0xe5: {  	[tilespmem:v2+s13+$0x0] =	vst.idx.msk $0xffff, v1  }
0xe6: {  	[tilespmem:v3+s13+$0x0] =	vst.idx.msk $0xffff, v1  }
0xe7: {  	[tilespmem:v4+s13+$0x0] =	vst.idx.msk $0xffff, v1  }
0xe8: {  	_ =	swait.ge [sflag:s12], $0x4000  }
0xe9: {  	[sflag:s12] =	ssyncset.done $0x0  }
0xea: {  	s19 =	simm.s32 $0x40F0;
	[sflag:s12] =	ssyncadd.s32 $0xFFFFC000  }
0xeb: {  	v2 =	vld [tilespmem:s19+$0x0]  }
0xec: {  	v3 =	vld [tilespmem:s19+$0xFFFFFF20]  }
0xed: {  	v4 =	vld [tilespmem:s19+$0xFFFFFF30]  }
0xee: {  	v5 =	vld [tilespmem:s19+$0xFFFFFF40]  }
0xef: {  	v6 =	vld [tilespmem:s19+$0xFFFFFF50]  }
0xf0: {  	v7 =	vld [tilespmem:s19+$0xFFFFFF60]  }
0xf1: {  	v8 =	vld [tilespmem:s19+$0xFFFFFF70]  }
0xf2: {  	v9 =	vld [tilespmem:s19+$0xFFFFFF80]  }
0xf3: {  	v10 =	vld [tilespmem:s19+$0xFFFFFF90]  }
0xf4: {  	v11 =	vld [tilespmem:s19+$0xFFFFFFA0]  }
0xf5: {  	v12 =	vld [tilespmem:s19+$0xFFFFFFB0]  }
0xf6: {  	v13 =	vld [tilespmem:s19+$0xFFFFFFC0]  }
0xf7: {  	v14 =	vld [tilespmem:s19+$0xFFFFFFD0]  }
0xf8: {  	v15 =	vld [tilespmem:s19+$0xFFFFFFE0];
	v2 =	vadd.f32 $2.000000000e+00, v2;
	v3 =	vadd.f32 $2.000000000e+00, v3  }
0xf9: {  	v16 =	vld [tilespmem:s19+$0xFFFFFFF0];
	v4 =	vadd.f32 $2.000000000e+00, v4;
	v5 =	vadd.f32 $2.000000000e+00, v5  }
0xfa: {  	s31 =	simm.s32 $0x41F0;
	v17 =	vld [tilespmem:s19+$0xFFFFFF10];
	v6 =	vadd.f32 $2.000000000e+00, v6;
	v7 =	vadd.f32 $2.000000000e+00, v7  }
0xfb: {  	v29 =	vld [tilespmem:s31+$0xFFFFFFC0];
	v8 =	vadd.f32 $2.000000000e+00, v8;
	v9 =	vadd.f32 $2.000000000e+00, v9  }
0xfc: {  	v30 =	vld [tilespmem:s31+$0xFFFFFFD0];
	v10 =	vadd.f32 $2.000000000e+00, v10;
	v11 =	vadd.f32 $2.000000000e+00, v11  }
0xfd: {  	v31 =	vld [tilespmem:s31+$0xFFFFFFE0];
	v12 =	vadd.f32 $2.000000000e+00, v12;
	v13 =	vadd.f32 $2.000000000e+00, v13  }
0xfe: {  	v32 =	vld [tilespmem:s31+$0xFFFFFFF0];
	v14 =	vadd.f32 $2.000000000e+00, v14;
	v15 =	vadd.f32 $2.000000000e+00, v15  }
0xff: {  	v33 =	vld [tilespmem:s31+$0xFFFFFF10];
	v16 =	vadd.f32 $2.000000000e+00, v16;
	v17 =	vadd.f32 $2.000000000e+00, v17  }
0x100: {  	v29 =	vadd.f32 $2.000000000e+00, v29;
	v2 =	vmul.f32 $2.048000000e+03, v2;
	v3 =	vmul.f32 $2.048000000e+03, v3  }
0x101: {  	v53 =	vadd.f32 $2.000000000e+00, v30;
	v4 =	vmul.f32 $2.048000000e+03, v4;
	v5 =	vmul.f32 $2.048000000e+03, v5  }
0x102: {  	v54 =	vadd.f32 $2.000000000e+00, v31;
	v6 =	vmul.f32 $2.048000000e+03, v6;
	v7 =	vmul.f32 $2.048000000e+03, v7  }
0x103: {  	v55 =	vadd.f32 $2.000000000e+00, v32;
	v8 =	vmul.f32 $2.048000000e+03, v8;
	v9 =	vmul.f32 $2.048000000e+03, v9  }
0x104: {  	v56 =	vadd.f32 $2.000000000e+00, v33;
	v10 =	vmul.f32 $2.048000000e+03, v10;
	v11 =	vmul.f32 $2.048000000e+03, v11  }
0x105: {  	v12 =	vmul.f32 $2.048000000e+03, v12;
	v2 =	vadd.f32 $1.258291200e+07, v2;
	v3 =	vadd.f32 $1.258291200e+07, v3  }
0x106: {  	v13 =	vmul.f32 $2.048000000e+03, v13;
	v4 =	vadd.f32 $1.258291200e+07, v4;
	v5 =	vadd.f32 $1.258291200e+07, v5  }
0x107: {  	v14 =	vmul.f32 $2.048000000e+03, v14;
	v6 =	vadd.f32 $1.258291200e+07, v6;
	v7 =	vadd.f32 $1.258291200e+07, v7  }
0x108: {  	v15 =	vmul.f32 $2.048000000e+03, v15;
	v8 =	vadd.f32 $1.258291200e+07, v8;
	v9 =	vadd.f32 $1.258291200e+07, v9  }
0x109: {  	v17 =	vmul.f32 $2.048000000e+03, v17;
	v10 =	vadd.f32 $1.258291200e+07, v10;
	v11 =	vadd.f32 $1.258291200e+07, v11  }
0x10a: {  	v16 =	vmul.f32 $2.048000000e+03, v16;
	v12 =	vadd.f32 $1.258291200e+07, v12;
	v13 =	vadd.f32 $1.258291200e+07, v13  }
0x10b: {  	v29 =	vmul.f32 $2.048000000e+03, v29;
	v17 =	vadd.f32 $1.258291200e+07, v17;
	v14 =	vadd.f32 $1.258291200e+07, v14  }
0x10c: {  	v15 =	vadd.f32 $1.258291200e+07, v15;
	v16 =	vadd.f32 $1.258291200e+07, v16  }
0x10d: {  	v29 =	vadd.f32 $1.258291200e+07, v29;
	v2 =	vadd.f32 $-1.258291200e+07, v2  }
0x10e: {  	v17 =	vadd.f32 $-1.258291200e+07, v17;
	v3 =	vadd.f32 $-1.258291200e+07, v3  }
0x10f: {  	v4 =	vadd.f32 $-1.258291200e+07, v4;
	v5 =	vadd.f32 $-1.258291200e+07, v5  }
0x110: {  	v6 =	vadd.f32 $-1.258291200e+07, v6;
	v7 =	vadd.f32 $-1.258291200e+07, v7  }
0x111: {  	v8 =	vadd.f32 $-1.258291200e+07, v8;
	v9 =	vadd.f32 $-1.258291200e+07, v9  }
0x112: {  	v30 =	vmul.f32 $2.048000000e+03, v54;
	v10 =	vadd.f32 $-1.258291200e+07, v10;
	v11 =	vadd.f32 $-1.258291200e+07, v11  }
0x113: {  	v31 =	vmul.f32 $2.048000000e+03, v55;
	v12 =	vadd.f32 $-1.258291200e+07, v12;
	v13 =	vadd.f32 $-1.258291200e+07, v13  }
0x114: {  	v32 =	vmul.f32 $2.048000000e+03, v56;
	v14 =	vadd.f32 $-1.258291200e+07, v14;
	v15 =	vadd.f32 $-1.258291200e+07, v15  }
0x115: {  	v16 =	vadd.f32 $-1.258291200e+07, v16;
	v2 =	vmax.f32 v2, $-1.000000000e+00;
	v17 =	vmax.f32 v17, $-1.000000000e+00  }
0x116: {  	v3 =	vmax.f32 v3, $-1.000000000e+00;
	v4 =	vmax.f32 v4, $-1.000000000e+00;
	v5 =	vmax.f32 v5, $-1.000000000e+00  }
0x117: {  	v6 =	vmax.f32 v6, $-1.000000000e+00;
	v7 =	vmax.f32 v7, $-1.000000000e+00;
	v8 =	vmax.f32 v8, $-1.000000000e+00  }
0x118: {  	v9 =	vmax.f32 v9, $-1.000000000e+00;
	v10 =	vmax.f32 v10, $-1.000000000e+00;
	v11 =	vmax.f32 v11, $-1.000000000e+00  }
0x119: {  	v12 =	vmax.f32 v12, $-1.000000000e+00;
	v13 =	vmax.f32 v13, $-1.000000000e+00;
	v14 =	vmax.f32 v14, $-1.000000000e+00  }
0x11a: {  	v15 =	vmax.f32 v15, $-1.000000000e+00;
	v16 =	vmax.f32 v16, $-1.000000000e+00;
	v2 =	vmin.f32 v2, $8.192000000e+03  }
0x11b: {  	v17 =	vmin.f32 v17, $8.192000000e+03;
	v3 =	vmin.f32 v3, $8.192000000e+03;
	v4 =	vmin.f32 v4, $8.192000000e+03  }
0x11c: {  	v5 =	vmin.f32 v5, $8.192000000e+03;
	v6 =	vmin.f32 v6, $8.192000000e+03;
	v7 =	vmin.f32 v7, $8.192000000e+03  }
0x11d: {  	v8 =	vmin.f32 v8, $8.192000000e+03;
	v9 =	vmin.f32 v9, $8.192000000e+03;
	v2 =	vtrunc.f32 v2  }
0x11e: {  	v10 =	vmin.f32 v10, $8.192000000e+03;
	v17 =	vtrunc.f32 v17;
	v3 =	vtrunc.f32 v3  }
0x11f: {  	v11 =	vmin.f32 v11, $8.192000000e+03;
	v4 =	vtrunc.f32 v4;
	v5 =	vtrunc.f32 v5  }
0x120: {  	v12 =	vmin.f32 v12, $8.192000000e+03;
	v6 =	vtrunc.f32 v6;
	v7 =	vtrunc.f32 v7  }
0x121: {  	v13 =	vmin.f32 v13, $8.192000000e+03;
	v8 =	vtrunc.f32 v8;
	v9 =	vtrunc.f32 v9  }
0x122: {  	v14 =	vmin.f32 v14, $8.192000000e+03;
	v18 =	vtrunc.f32 v10;
	v11 =	vtrunc.f32 v11  }
0x123: {  	v10 =	vmin.f32 v15, $8.192000000e+03;
	v12 =	vtrunc.f32 v12;
	v13 =	vtrunc.f32 v13  }
0x124: {  	v15 =	vmin.f32 v16, $8.192000000e+03;
	v14 =	vtrunc.f32 v14;
	v2 =	vcvt.f32.s32 v2  }
0x125: {  	v20 =	vld [tilespmem:s31+$0xFFFFFF20];
	v31 =	vadd.f32 $1.258291200e+07, v31;
	v19 =	vtrunc.f32 v10;
	v15 =	vtrunc.f32 v15  }
0x126: {  	v26 =	vld [tilespmem:s31+$0xFFFFFF50];
	v30 =	vadd.f32 $1.258291200e+07, v30;
	v10 =	vcvt.f32.s32 v17;
	v3 =	vcvt.f32.s32 v3  }
0x127: {  	v28 =	vld [tilespmem:s31+$0xFFFFFF60];
	v61 =	vadd.f32 $-1.258291200e+07, v31;
	v21 =	vcvt.f32.s32 v4;
	v22 =	vcvt.f32.s32 v5  }
0x128: {  	v60 =	vadd.f32 $-1.258291200e+07, v30;
	v16 =	vld [tilespmem:s31+$0x0];
	v24 =	vcvt.f32.s32 v6;
	v25 =	vcvt.f32.s32 v7  }
0x129: {  	v30 =	vmax.f32 v61, $-1.000000000e+00;
	v4 =	vld [tilespmem:s31+$0xFFFFFF40];
	v9 =	vcvt.f32.s32 v9;
	v7 =	vcvt.f32.s32 v11  }
0x12a: {  	v11 =	vadd.f32 $2.000000000e+00, v20;
	v6 =	vcvt.f32.s32 v12;
	v5 =	vcvt.f32.s32 v13;
	v13 =	vld [tilespmem:s31+$0xFFFFFF80]  }
0x12b: {  	v20 =	vld [tilespmem:s31+$0xFFFFFFA0];
	v17 =	vadd.s32 $0x2018, v2;
	v23 =	vadd.s32 $0x2018, v10;
	v10 =	vcvt.f32.s32 v8  }
0x12c: {  	v52 =	vld [tilespmem:s31+$0xFFFFFFB0];
	v27 =	vadd.s32 $0x2018, v3;
	v8 =	vcvt.f32.s32 v18;
	v11 =	vmul.f32 $2.048000000e+03, v11  }
0x12d: {  	v2 =	vld [tilespmem:s31+$0xFFFFFF30];
	v21 =	vadd.s32 $0x2018, v21;
	v58 =	vadd.s32 $0x2018, v22;
	v35 =	vadd.s32 $0x2018, v24  }
0x12e: {  	v59 =	vadd.s32 $0x2018, v25;
	v6 =	vadd.s32 $0x2018, v6;
	v3 =	vadd.f32 $2.000000000e+00, v16  }
0x12f: {  	v5 =	vadd.s32 $0x2018, v5;
	v11 =	vadd.f32 $1.258291200e+07, v11;
	v4 =	vadd.f32 $2.000000000e+00, v4  }
0x130: {  	v13 =	vadd.f32 $2.000000000e+00, v13;
	v20 =	vadd.f32 $2.000000000e+00, v20;
	v18 =	vmul.f32 $2.048000000e+03, v3  }
0x131: {  	v16 =	vld [tilespmem:s31+$0xFFFFFF70];
	v3 =	vcvt.f32.s32 v19;
	v19 =	vadd.f32 $2.000000000e+00, v26;
	v26 =	vadd.f32 $2.000000000e+00, v28  }
0x132: {  	v28 =	vadd.f32 $2.000000000e+00, v52;
	v12 =	vadd.f32 $2.000000000e+00, v2;
	v2 =	vcvt.f32.s32 v14  }
0x133: {  	v11 =	vadd.f32 $-1.258291200e+07, v11;
	v4 =	vmul.f32 $2.048000000e+03, v4;
	v13 =	vmul.f32 $2.048000000e+03, v13;
	[tilespmem:v23+s13+$0x0] =	vst.idx.msk $0xffff, v1  }
0x134: {  	v20 =	vmul.f32 $2.048000000e+03, v20;
	[tilespmem:v27+s13+$0x0] =	vst.idx.msk $0xffff, v1;
	v27 =	vadd.s32 $0x2018, v10;
	v23 =	vadd.s32 $0x2018, v7  }
0x135: {  	v18 =	vadd.f32 $1.258291200e+07, v18;
	v19 =	vmul.f32 $2.048000000e+03, v19;
	v26 =	vmul.f32 $2.048000000e+03, v26  }
0x136: {  	v11 =	vmax.f32 v11, $-1.000000000e+00;
	v16 =	vadd.f32 $2.000000000e+00, v16;
	v34 =	vadd.f32 $1.258291200e+07, v4  }
0x137: {  	v12 =	vmul.f32 $2.048000000e+03, v12;
	v13 =	vadd.f32 $1.258291200e+07, v13;
	v20 =	vadd.f32 $1.258291200e+07, v20  }
0x138: {  	v14 =	vld [tilespmem:s31+$0xFFFFFF90];
	v4 =	vmul.f32 $2.048000000e+03, v28;
	v18 =	vadd.f32 $-1.258291200e+07, v18;
	v19 =	vadd.f32 $1.258291200e+07, v19  }
0x139: {  	v28 =	vmul.f32 $2.048000000e+03, v53;
	v26 =	vadd.f32 $1.258291200e+07, v26;
	v12 =	vadd.f32 $1.258291200e+07, v12  }
0x13a: {  	v57 =	vadd.f32 $1.258291200e+07, v4;
	v4 =	vcvt.f32.s32 v15;
	v15 =	vadd.f32 $1.258291200e+07, v32  }
0x13b: {  	v62 =	vmin.f32 v11, $8.192000000e+03;
	v28 =	vadd.f32 $1.258291200e+07, v28;
	v22 =	vadd.f32 $-1.258291200e+07, v34  }
0x13c: {  	v11 =	vmin.f32 v30, $8.192000000e+03;
	v13 =	vadd.f32 $-1.258291200e+07, v13;
	v20 =	vadd.f32 $-1.258291200e+07, v20  }
0x13d: {  	v16 =	vmul.f32 $2.048000000e+03, v16;
	v14 =	vadd.f32 $2.000000000e+00, v14;
	v19 =	vadd.f32 $-1.258291200e+07, v19  }
0x13e: {  	v18 =	vmax.f32 v18, $-1.000000000e+00;
	v24 =	vadd.f32 $-1.258291200e+07, v26;
	v26 =	vadd.f32 $-1.258291200e+07, v29  }
0x13f: {  	v29 =	vmax.f32 v60, $-1.000000000e+00;
	v18 =	vmin.f32 v18, $8.192000000e+03;
	v16 =	vadd.f32 $1.258291200e+07, v16  }
0x140: {  	v15 =	vadd.f32 $-1.258291200e+07, v15;
	v12 =	vadd.f32 $-1.258291200e+07, v12;
	v22 =	vmax.f32 v22, $-1.000000000e+00  }
0x141: {  	v25 =	vadd.f32 $-1.258291200e+07, v57;
	v28 =	vadd.f32 $-1.258291200e+07, v28;
	v13 =	vmax.f32 v13, $-1.000000000e+00  }
0x142: {  	v20 =	vmax.f32 v20, $-1.000000000e+00;
	v14 =	vmul.f32 $2.048000000e+03, v14;
	v18 =	vtrunc.f32 v18  }
0x143: {  	v19 =	vmax.f32 v19, $-1.000000000e+00;
	v24 =	vmax.f32 v24, $-1.000000000e+00;
	v26 =	vmax.f32 v26, $-1.000000000e+00  }
0x144: {  	v36 =	vmin.f32 v22, $8.192000000e+03;
	v13 =	vmin.f32 v13, $8.192000000e+03;
	v38 =	vmin.f32 v20, $8.192000000e+03  }
0x145: {  	v22 =	vtrunc.f32 v62;
	v18 =	vcvt.f32.s32 v18;
	v15 =	vmax.f32 v15, $-1.000000000e+00  }
0x146: {  	v16 =	vadd.f32 $-1.258291200e+07, v16;
	v12 =	vmax.f32 v12, $-1.000000000e+00;
	v25 =	vmax.f32 v25, $-1.000000000e+00  }
0x147: {  	v28 =	vmax.f32 v28, $-1.000000000e+00;
	v37 =	vmin.f32 v19, $8.192000000e+03;
	v24 =	vmin.f32 v24, $8.192000000e+03  }
0x148: {  	[tilespmem:v21+s13+$0x0] =	vst.idx.msk $0xffff, v1;
	v26 =	vmin.f32 v26, $8.192000000e+03;
	v21 =	vtrunc.f32 v36;
	v18 =	vadd.s32 $0x2018, v18  }
0x149: {  	v14 =	vadd.f32 $1.258291200e+07, v14;
	v15 =	vmin.f32 v15, $8.192000000e+03;
	v63 =	vmin.f32 v12, $8.192000000e+03  }
0x14a: {  	[tilespmem:v17+s13+$0x0] =	vst.idx.msk $0xffff, v1;
	v39 =	vmin.f32 v25, $8.192000000e+03;
	v17 =	vtrunc.f32 v37;
	v25 =	vadd.s32 $0x2018, v9  }
0x14b: {  	v16 =	vmax.f32 v16, $-1.000000000e+00;
	v20 =	vtrunc.f32 v15;
	v14 =	vadd.f32 $-1.258291200e+07, v14  }
0x14c: {  	[tilespmem:v58+s13+$0x0] =	vst.idx.msk $0xffff, v1;
	v19 =	vtrunc.f32 v63;
	v15 =	vtrunc.f32 v26;
	v16 =	vmin.f32 v16, $8.192000000e+03  }
0x14d: {  	v14 =	vmax.f32 v14, $-1.000000000e+00;
	[tilespmem:v18+s13+$0x0] =	vst.idx.msk $0xffff, v1;
	v18 =	vtrunc.f32 v24;
	v24 =	vadd.s32 $0x2018, v8  }
0x14e: {  	[tilespmem:v35+s13+$0x0] =	vst.idx.msk $0xffff, v1;
	v10 =	vtrunc.f32 v16;
	v16 =	vtrunc.f32 v38;
	v14 =	vmin.f32 v14, $8.192000000e+03  }
0x14f: {  	[tilespmem:v59+s13+$0x0] =	vst.idx.msk $0xffff, v1;
	v28 =	vmin.f32 v28, $8.192000000e+03;
	v8 =	vtrunc.f32 v13;
	v9 =	vtrunc.f32 v14  }
0x150: {  	s20 =	simm.s32 $0x42F0;
	s19 =	simm.s32 $0x10;
	[tilespmem:v27+s13+$0x0] =	vst.idx.msk $0xffff, v1;
	v12 =	vmin.f32 v29, $8.192000000e+03;
	v14 =	vtrunc.f32 v39;
	v13 =	vtrunc.f32 v28  }
.LBB2_8:
0x151: {  	v7 =	vld [tilespmem:s20+$0x0];
	s19 =	sadd.s32 $0x10, s19;
	v12 =	vtrunc.f32 v12;
	v11 =	vtrunc.f32 v11;
	[tilespmem:v25+s13+$0x0] =	vst.idx.msk $0xffff, v1;
	v2 =	vadd.s32 $0x2018, v2  }
0x152: {  	v20 =	vcvt.f32.s32 v20;
	v22 =	vcvt.f32.s32 v22;
	v3 =	vadd.s32 $0x2018, v3;
	v25 =	vld [tilespmem:s20+$0xFFFFFF20];
	p0 =	slt.u32 s19, $0x3F0;
	[tilespmem:v24+s13+$0x0] =	vst.idx.msk $0xffff, v1  }
0x153: {  	v19 =	vcvt.f32.s32 v19;
	v21 =	vcvt.f32.s32 v21;
	v4 =	vadd.s32 $0x2018, v4;
	v24 =	vld [tilespmem:s20+$0xFFFFFF30];
	[tilespmem:v23+s13+$0x0] =	vst.idx.msk $0xffff, v1  }
0x154: {  	v17 =	vcvt.f32.s32 v17;
	v18 =	vcvt.f32.s32 v18;
	v20 =	vadd.s32 $0x2018, v20;
	v23 =	vld [tilespmem:s20+$0xFFFFFF40];
	[tilespmem:v6+s13+$0x0] =	vst.idx.msk $0xffff, v1  }
0x155: {  	v10 =	vcvt.f32.s32 v10;
	v8 =	vcvt.f32.s32 v8;
	v22 =	vadd.s32 $0x2018, v22;
	v26 =	vld [tilespmem:s20+$0xFFFFFF50];
	[tilespmem:v5+s13+$0x0] =	vst.idx.msk $0xffff, v1  }
0x156: {  	v9 =	vcvt.f32.s32 v9;
	v6 =	vcvt.f32.s32 v16;
	v27 =	vld [tilespmem:s20+$0xFFFFFF60];
	v28 =	vadd.f32 $2.000000000e+00, v7;
	[tilespmem:v2+s13+$0x0] =	vst.idx.msk $0xffff, v1  }
0x157: {  	v5 =	vcvt.f32.s32 v15;
	v7 =	vcvt.f32.s32 v14;
	v16 =	vadd.f32 $2.000000000e+00, v25;
	v25 =	vld [tilespmem:s20+$0xFFFFFF70];
	[tilespmem:v3+s13+$0x0] =	vst.idx.msk $0xffff, v1  }
0x158: {  	v2 =	vcvt.f32.s32 v13;
	v14 =	vadd.f32 $2.000000000e+00, v24;
	v15 =	vld [tilespmem:s20+$0xFFFFFF80];
	v24 =	vmul.f32 $2.048000000e+03, v28;
	[tilespmem:v4+s13+$0x0] =	vst.idx.msk $0xffff, v1  }
0x159: {  	v3 =	vcvt.f32.s32 v12;
	v4 =	vmul.f32 $2.048000000e+03, v16;
	v13 =	vadd.f32 $2.000000000e+00, v23;
	v16 =	vld [tilespmem:s20+$0xFFFFFF90];
	[tilespmem:v20+s13+$0x0] =	vst.idx.msk $0xffff, v1  }
0x15a: {  	v12 =	vmul.f32 $2.048000000e+03, v14;
	v14 =	vadd.f32 $2.000000000e+00, v26;
	v20 =	vld [tilespmem:s20+$0xFFFFFFA0];
	v23 =	vadd.f32 $1.258291200e+07, v24;
	[tilespmem:v22+s13+$0x0] =	vst.idx.msk $0xffff, v1  }
0x15b: {  	v22 =	vadd.f32 $1.258291200e+07, v4;
	v4 =	vmul.f32 $2.048000000e+03, v13;
	v13 =	vadd.f32 $2.000000000e+00, v27;
	v24 =	vld [tilespmem:s20+$0xFFFFFFB0]  }
0x15c: {  	v14 =	vmul.f32 $2.048000000e+03, v14;
	v25 =	vadd.f32 $2.000000000e+00, v25;
	v26 =	vld [tilespmem:s20+$0xFFFFFFC0];
	v23 =	vadd.f32 $-1.258291200e+07, v23  }
0x15d: {  	v12 =	vadd.f32 $1.258291200e+07, v12;
	v13 =	vmul.f32 $2.048000000e+03, v13;
	v15 =	vadd.f32 $2.000000000e+00, v15;
	v27 =	vld [tilespmem:s20+$0xFFFFFFD0]  }
0x15e: {  	v25 =	vmul.f32 $2.048000000e+03, v25;
	v16 =	vadd.f32 $2.000000000e+00, v16;
	v28 =	vld [tilespmem:s20+$0xFFFFFFE0];
	v23 =	vmax.f32 v23, $-1.000000000e+00  }
0x15f: {  	v15 =	vmul.f32 $2.048000000e+03, v15;
	v20 =	vadd.f32 $2.000000000e+00, v20;
	v29 =	vld [tilespmem:s20+$0xFFFFFFF0];
	v23 =	vmin.f32 v23, $8.192000000e+03  }
0x160: {  	v30 =	vld [tilespmem:s20+$0xFFFFFF10];
	v16 =	vmul.f32 $2.048000000e+03, v16;
	v24 =	vadd.f32 $2.000000000e+00, v24;
	v23 =	vtrunc.f32 v23  }
0x161: {  	v20 =	vmul.f32 $2.048000000e+03, v20;
	v26 =	vadd.f32 $2.000000000e+00, v26;
	v23 =	vcvt.f32.s32 v23  }
0x162: {  	v31 =	vadd.f32 $1.258291200e+07, v4;
	v4 =	vmul.f32 $2.048000000e+03, v24;
	v24 =	vadd.f32 $2.000000000e+00, v27  }
0x163: {  	v26 =	vmul.f32 $2.048000000e+03, v26;
	v27 =	vadd.f32 $2.000000000e+00, v28;
	v23 =	vadd.s32 $0x2018, v23  }
0x164: {  	v14 =	vadd.f32 $1.258291200e+07, v14;
	v24 =	vmul.f32 $2.048000000e+03, v24;
	v28 =	vadd.f32 $2.000000000e+00, v29  }
0x165: {  	v13 =	vadd.f32 $1.258291200e+07, v13;
	v29 =	vadd.f32 $2.000000000e+00, v30;
	v27 =	vmul.f32 $2.048000000e+03, v27  }
0x166: {  	v25 =	vadd.f32 $1.258291200e+07, v25;
	v15 =	vadd.f32 $1.258291200e+07, v15;
	v28 =	vmul.f32 $2.048000000e+03, v28  }
0x167: {  	v16 =	vadd.f32 $1.258291200e+07, v16;
	v20 =	vadd.f32 $1.258291200e+07, v20;
	v29 =	vmul.f32 $2.048000000e+03, v29  }
0x168: {  	v30 =	vadd.f32 $1.258291200e+07, v4;
	v26 =	vadd.f32 $1.258291200e+07, v26;
	v4 =	vcvt.f32.s32 v11;
	[tilespmem:v23+s13+$0x0] =	vst.idx.msk $0xffff, v1  }
0x169: {  	v19 =	vadd.s32 $0x2018, v19;
	v23 =	vadd.f32 $1.258291200e+07, v24;
	v11 =	vadd.f32 $1.258291200e+07, v29  }
0x16a: {  	v21 =	vadd.s32 $0x2018, v21;
	v24 =	vadd.f32 $1.258291200e+07, v27;
	v27 =	vadd.f32 $1.258291200e+07, v28  }
0x16b: {  	v17 =	vadd.s32 $0x2018, v17;
	v22 =	vadd.f32 $-1.258291200e+07, v22;
	v11 =	vadd.f32 $-1.258291200e+07, v11  }
0x16c: {  	v18 =	vadd.s32 $0x2018, v18;
	v12 =	vadd.f32 $-1.258291200e+07, v12;
	v28 =	vadd.f32 $-1.258291200e+07, v31  }
0x16d: {  	v14 =	vadd.f32 $-1.258291200e+07, v14;
	v13 =	vadd.f32 $-1.258291200e+07, v13;
	v11 =	vmax.f32 v11, $-1.000000000e+00  }
0x16e: {  	v22 =	vmax.f32 v22, $-1.000000000e+00;
	v25 =	vadd.f32 $-1.258291200e+07, v25;
	v15 =	vadd.f32 $-1.258291200e+07, v15;
	[tilespmem:v19+s13+$0x0] =	vst.idx.msk $0xffff, v1  }
0x16f: {  	v12 =	vmax.f32 v12, $-1.000000000e+00;
	v16 =	vadd.f32 $-1.258291200e+07, v16;
	v19 =	vadd.f32 $-1.258291200e+07, v20;
	[tilespmem:v21+s13+$0x0] =	vst.idx.msk $0xffff, v1  }
0x170: {  	v26 =	vadd.f32 $-1.258291200e+07, v26;
	v20 =	vmax.f32 v28, $-1.000000000e+00;
	v21 =	vadd.f32 $-1.258291200e+07, v30;
	[tilespmem:v17+s13+$0x0] =	vst.idx.msk $0xffff, v1  }
0x171: {  	v14 =	vmax.f32 v14, $-1.000000000e+00;
	v17 =	vadd.f32 $-1.258291200e+07, v23;
	v23 =	vadd.f32 $-1.258291200e+07, v24;
	[tilespmem:v18+s13+$0x0] =	vst.idx.msk $0xffff, v1  }
0x172: {  	v13 =	vmax.f32 v13, $-1.000000000e+00;
	v24 =	vadd.f32 $-1.258291200e+07, v27;
	v18 =	vmax.f32 v25, $-1.000000000e+00  }
0x173: {  	v15 =	vmax.f32 v15, $-1.000000000e+00;
	v16 =	vmax.f32 v16, $-1.000000000e+00;
	v19 =	vmax.f32 v19, $-1.000000000e+00  }
0x174: {  	v21 =	vmax.f32 v21, $-1.000000000e+00;
	v25 =	vmax.f32 v26, $-1.000000000e+00;
	v17 =	vmax.f32 v17, $-1.000000000e+00  }
0x175: {  	v11 =	vmin.f32 v11, $8.192000000e+03;
	v23 =	vmax.f32 v23, $-1.000000000e+00;
	v24 =	vmax.f32 v24, $-1.000000000e+00  }
0x176: {  	v22 =	vmin.f32 v22, $8.192000000e+03;
	v27 =	vmin.f32 v20, $8.192000000e+03;
	v26 =	vmin.f32 v12, $8.192000000e+03  }
0x177: {  	v14 =	vmin.f32 v14, $8.192000000e+03;
	v13 =	vmin.f32 v13, $8.192000000e+03;
	v28 =	vmin.f32 v18, $8.192000000e+03  }
0x178: {  	v15 =	vmin.f32 v15, $8.192000000e+03;
	v16 =	vmin.f32 v16, $8.192000000e+03;
	v29 =	vmin.f32 v19, $8.192000000e+03  }
0x179: {  	v30 =	vmin.f32 v21, $8.192000000e+03;
	v31 =	vmin.f32 v25, $8.192000000e+03;
	v32 =	vmin.f32 v17, $8.192000000e+03  }
0x17a: {  	v20 =	vtrunc.f32 v11;
	v12 =	vmin.f32 v23, $8.192000000e+03;
	v11 =	vmin.f32 v24, $8.192000000e+03  }
0x17b: {  	v22 =	vtrunc.f32 v22;
	v19 =	vtrunc.f32 v26;
	v26 =	vadd.s32 $0x2018, v10  }
.Ltmp3:
0x17c: {  	v21 =	vtrunc.f32 v27;
	v25 =	vadd.s32 $0x2018, v8;
	v17 =	vtrunc.f32 v14;
	(pc) =	sbr.rel @p0 .LBB2_8-.Ltmp3, $4  }
0x17d: {  	v18 =	vtrunc.f32 v13;
	v10 =	vtrunc.f32 v28;
	v24 =	vadd.s32 $0x2018, v9  }
0x17e: {  	v8 =	vtrunc.f32 v15;
	v9 =	vtrunc.f32 v16;
	v23 =	vadd.s32 $0x2018, v6  }
0x17f: {  	v16 =	vtrunc.f32 v29;
	v14 =	vtrunc.f32 v30;
	v6 =	vadd.s32 $0x2018, v7  }
0x180: {  	v5 =	vadd.s32 $0x2018, v5;
	s20 =	sadd.s32 $0x100, s20;
	v15 =	vtrunc.f32 v31;
	v13 =	vtrunc.f32 v32;
	[tilespmem:v26+s13+$0x0] =	vst.idx.msk $0xffff, v1  }
0x181: {  	_ =	sdelay $0x3  }
0x182: {  	[tilespmem:v25+s13+$0x0] =	vst.idx.msk $0xffff, v1;
	v2 =	vadd.s32 $0x2018, v2  }
0x183: {  	v7 =	vcvt.f32.s32 v20;
	[tilespmem:v24+s13+$0x0] =	vst.idx.msk $0xffff, v1;
	v3 =	vadd.s32 $0x2018, v3  }
0x184: {  	v20 =	vcvt.f32.s32 v22;
	[tilespmem:v23+s13+$0x0] =	vst.idx.msk $0xffff, v1;
	v4 =	vadd.s32 $0x2018, v4  }
0x185: {  	v19 =	vcvt.f32.s32 v19;
	[tilespmem:v6+s13+$0x0] =	vst.idx.msk $0xffff, v1;
	v7 =	vadd.s32 $0x2018, v7  }
0x186: {  	v6 =	vcvt.f32.s32 v21;
	[tilespmem:v5+s13+$0x0] =	vst.idx.msk $0xffff, v1;
	v20 =	vadd.s32 $0x2018, v20  }
0x187: {  	v5 =	vcvt.f32.s32 v17;
	[tilespmem:v2+s13+$0x0] =	vst.idx.msk $0xffff, v1;
	v2 =	vadd.s32 $0x2018, v19  }
0x188: {  	v17 =	vcvt.f32.s32 v18;
	[tilespmem:v3+s13+$0x0] =	vst.idx.msk $0xffff, v1;
	v3 =	vadd.s32 $0x2018, v6  }
0x189: {  	v6 =	vcvt.f32.s32 v10;
	[tilespmem:v4+s13+$0x0] =	vst.idx.msk $0xffff, v1;
	v4 =	vadd.s32 $0x2018, v5  }
0x18a: {  	v5 =	vcvt.f32.s32 v8;
	[tilespmem:v7+s13+$0x0] =	vst.idx.msk $0xffff, v1;
	v7 =	vadd.s32 $0x2018, v17  }
0x18b: {  	v8 =	vcvt.f32.s32 v9;
	[tilespmem:v20+s13+$0x0] =	vst.idx.msk $0xffff, v1;
	v6 =	vadd.s32 $0x2018, v6  }
0x18c: {  	v9 =	vcvt.f32.s32 v16;
	[tilespmem:v2+s13+$0x0] =	vst.idx.msk $0xffff, v1;
	v2 =	vadd.s32 $0x2018, v5  }
0x18d: {  	v5 =	vcvt.f32.s32 v14;
	[tilespmem:v3+s13+$0x0] =	vst.idx.msk $0xffff, v1;
	v3 =	vadd.s32 $0x2018, v8  }
0x18e: {  	v8 =	vcvt.f32.s32 v15;
	[tilespmem:v4+s13+$0x0] =	vst.idx.msk $0xffff, v1;
	v4 =	vadd.s32 $0x2018, v9  }
0x18f: {  	v10 =	vcvt.f32.s32 v13;
	v9 =	vtrunc.f32 v12;
	[tilespmem:v7+s13+$0x0] =	vst.idx.msk $0xffff, v1;
	v5 =	vadd.s32 $0x2018, v5  }
0x190: {  	v9 =	vcvt.f32.s32 v9;
	v7 =	vtrunc.f32 v11;
	[tilespmem:v6+s13+$0x0] =	vst.idx.msk $0xffff, v1;
	v6 =	vadd.s32 $0x2018, v8  }
0x191: {  	v7 =	vcvt.f32.s32 v7;
	[tilespmem:v2+s13+$0x0] =	vst.idx.msk $0xffff, v1;
	v2 =	vadd.s32 $0x2018, v10  }
0x192: {  	[tilespmem:v3+s13+$0x0] =	vst.idx.msk $0xffff, v1;
	v3 =	vadd.s32 $0x2018, v9  }
0x193: {  	[tilespmem:v4+s13+$0x0] =	vst.idx.msk $0xffff, v1;
	v4 =	vadd.s32 $0x2018, v7  }
0x194: {  	[tilespmem:v5+s13+$0x0] =	vst.idx.msk $0xffff, v1  }
0x195: {  	[tilespmem:v6+s13+$0x0] =	vst.idx.msk $0xffff, v1  }
0x196: {  	[tilespmem:v2+s13+$0x0] =	vst.idx.msk $0xffff, v1  }
0x197: {  	[tilespmem:v3+s13+$0x0] =	vst.idx.msk $0xffff, v1  }
0x198: {  	[tilespmem:v4+s13+$0x0] =	vst.idx.msk $0xffff, v1  }
0x199: {  	_ =	swait.ge [sflag:s12], $0x4000  }
0x19a: {  	[sflag:s12] =	ssyncset.done $0x0  }
0x19b: {  	s19 =	simm.s32 $0x80F0;
	[sflag:s12] =	ssyncadd.s32 $0xFFFFC000  }
0x19c: {  	v2 =	vld [tilespmem:s19+$0x0]  }
0x19d: {  	v3 =	vld [tilespmem:s19+$0xFFFFFF20]  }
0x19e: {  	v4 =	vld [tilespmem:s19+$0xFFFFFF30]  }
0x19f: {  	v5 =	vld [tilespmem:s19+$0xFFFFFF40]  }
0x1a0: {  	v6 =	vld [tilespmem:s19+$0xFFFFFF50]  }
0x1a1: {  	v7 =	vld [tilespmem:s19+$0xFFFFFF60]  }
0x1a2: {  	v8 =	vld [tilespmem:s19+$0xFFFFFF70]  }
0x1a3: {  	v9 =	vld [tilespmem:s19+$0xFFFFFF80]  }
0x1a4: {  	v10 =	vld [tilespmem:s19+$0xFFFFFF90]  }
0x1a5: {  	v11 =	vld [tilespmem:s19+$0xFFFFFFA0]  }
0x1a6: {  	v12 =	vld [tilespmem:s19+$0xFFFFFFB0]  }
0x1a7: {  	v13 =	vld [tilespmem:s19+$0xFFFFFFC0]  }
0x1a8: {  	v14 =	vld [tilespmem:s19+$0xFFFFFFD0]  }
0x1a9: {  	v15 =	vld [tilespmem:s19+$0xFFFFFFE0];
	v2 =	vadd.f32 $2.000000000e+00, v2;
	v3 =	vadd.f32 $2.000000000e+00, v3  }
0x1aa: {  	v16 =	vld [tilespmem:s19+$0xFFFFFFF0];
	v4 =	vadd.f32 $2.000000000e+00, v4;
	v5 =	vadd.f32 $2.000000000e+00, v5  }
0x1ab: {  	s31 =	simm.s32 $0x81F0;
	v17 =	vld [tilespmem:s19+$0xFFFFFF10];
	v6 =	vadd.f32 $2.000000000e+00, v6;
	v7 =	vadd.f32 $2.000000000e+00, v7  }
0x1ac: {  	v29 =	vld [tilespmem:s31+$0xFFFFFFC0];
	v8 =	vadd.f32 $2.000000000e+00, v8;
	v9 =	vadd.f32 $2.000000000e+00, v9  }
0x1ad: {  	v30 =	vld [tilespmem:s31+$0xFFFFFFD0];
	v10 =	vadd.f32 $2.000000000e+00, v10;
	v11 =	vadd.f32 $2.000000000e+00, v11  }
0x1ae: {  	v31 =	vld [tilespmem:s31+$0xFFFFFFE0];
	v12 =	vadd.f32 $2.000000000e+00, v12;
	v13 =	vadd.f32 $2.000000000e+00, v13  }
0x1af: {  	v32 =	vld [tilespmem:s31+$0xFFFFFFF0];
	v14 =	vadd.f32 $2.000000000e+00, v14;
	v15 =	vadd.f32 $2.000000000e+00, v15  }
0x1b0: {  	v33 =	vld [tilespmem:s31+$0xFFFFFF10];
	v16 =	vadd.f32 $2.000000000e+00, v16;
	v17 =	vadd.f32 $2.000000000e+00, v17  }
0x1b1: {  	v29 =	vadd.f32 $2.000000000e+00, v29;
	v2 =	vmul.f32 $2.048000000e+03, v2;
	v3 =	vmul.f32 $2.048000000e+03, v3  }
0x1b2: {  	v53 =	vadd.f32 $2.000000000e+00, v30;
	v4 =	vmul.f32 $2.048000000e+03, v4;
	v5 =	vmul.f32 $2.048000000e+03, v5  }
0x1b3: {  	v54 =	vadd.f32 $2.000000000e+00, v31;
	v6 =	vmul.f32 $2.048000000e+03, v6;
	v7 =	vmul.f32 $2.048000000e+03, v7  }
0x1b4: {  	v55 =	vadd.f32 $2.000000000e+00, v32;
	v8 =	vmul.f32 $2.048000000e+03, v8;
	v9 =	vmul.f32 $2.048000000e+03, v9  }
0x1b5: {  	v56 =	vadd.f32 $2.000000000e+00, v33;
	v10 =	vmul.f32 $2.048000000e+03, v10;
	v11 =	vmul.f32 $2.048000000e+03, v11  }
0x1b6: {  	v12 =	vmul.f32 $2.048000000e+03, v12;
	v2 =	vadd.f32 $1.258291200e+07, v2;
	v3 =	vadd.f32 $1.258291200e+07, v3  }
0x1b7: {  	v13 =	vmul.f32 $2.048000000e+03, v13;
	v4 =	vadd.f32 $1.258291200e+07, v4;
	v5 =	vadd.f32 $1.258291200e+07, v5  }
0x1b8: {  	v14 =	vmul.f32 $2.048000000e+03, v14;
	v6 =	vadd.f32 $1.258291200e+07, v6;
	v7 =	vadd.f32 $1.258291200e+07, v7  }
0x1b9: {  	v15 =	vmul.f32 $2.048000000e+03, v15;
	v8 =	vadd.f32 $1.258291200e+07, v8;
	v9 =	vadd.f32 $1.258291200e+07, v9  }
0x1ba: {  	v17 =	vmul.f32 $2.048000000e+03, v17;
	v10 =	vadd.f32 $1.258291200e+07, v10;
	v11 =	vadd.f32 $1.258291200e+07, v11  }
0x1bb: {  	v16 =	vmul.f32 $2.048000000e+03, v16;
	v12 =	vadd.f32 $1.258291200e+07, v12;
	v13 =	vadd.f32 $1.258291200e+07, v13  }
0x1bc: {  	v29 =	vmul.f32 $2.048000000e+03, v29;
	v17 =	vadd.f32 $1.258291200e+07, v17;
	v14 =	vadd.f32 $1.258291200e+07, v14  }
0x1bd: {  	v15 =	vadd.f32 $1.258291200e+07, v15;
	v16 =	vadd.f32 $1.258291200e+07, v16  }
0x1be: {  	v29 =	vadd.f32 $1.258291200e+07, v29;
	v2 =	vadd.f32 $-1.258291200e+07, v2  }
0x1bf: {  	v17 =	vadd.f32 $-1.258291200e+07, v17;
	v3 =	vadd.f32 $-1.258291200e+07, v3  }
0x1c0: {  	v4 =	vadd.f32 $-1.258291200e+07, v4;
	v5 =	vadd.f32 $-1.258291200e+07, v5  }
0x1c1: {  	v6 =	vadd.f32 $-1.258291200e+07, v6;
	v7 =	vadd.f32 $-1.258291200e+07, v7  }
0x1c2: {  	v8 =	vadd.f32 $-1.258291200e+07, v8;
	v9 =	vadd.f32 $-1.258291200e+07, v9  }
0x1c3: {  	v30 =	vmul.f32 $2.048000000e+03, v54;
	v10 =	vadd.f32 $-1.258291200e+07, v10;
	v11 =	vadd.f32 $-1.258291200e+07, v11  }
0x1c4: {  	v31 =	vmul.f32 $2.048000000e+03, v55;
	v12 =	vadd.f32 $-1.258291200e+07, v12;
	v13 =	vadd.f32 $-1.258291200e+07, v13  }
0x1c5: {  	v32 =	vmul.f32 $2.048000000e+03, v56;
	v14 =	vadd.f32 $-1.258291200e+07, v14;
	v15 =	vadd.f32 $-1.258291200e+07, v15  }
0x1c6: {  	v16 =	vadd.f32 $-1.258291200e+07, v16;
	v2 =	vmax.f32 v2, $-1.000000000e+00;
	v17 =	vmax.f32 v17, $-1.000000000e+00  }
0x1c7: {  	v3 =	vmax.f32 v3, $-1.000000000e+00;
	v4 =	vmax.f32 v4, $-1.000000000e+00;
	v5 =	vmax.f32 v5, $-1.000000000e+00  }
0x1c8: {  	v6 =	vmax.f32 v6, $-1.000000000e+00;
	v7 =	vmax.f32 v7, $-1.000000000e+00;
	v8 =	vmax.f32 v8, $-1.000000000e+00  }
0x1c9: {  	v9 =	vmax.f32 v9, $-1.000000000e+00;
	v10 =	vmax.f32 v10, $-1.000000000e+00;
	v11 =	vmax.f32 v11, $-1.000000000e+00  }
0x1ca: {  	v12 =	vmax.f32 v12, $-1.000000000e+00;
	v13 =	vmax.f32 v13, $-1.000000000e+00;
	v14 =	vmax.f32 v14, $-1.000000000e+00  }
0x1cb: {  	v15 =	vmax.f32 v15, $-1.000000000e+00;
	v16 =	vmax.f32 v16, $-1.000000000e+00;
	v2 =	vmin.f32 v2, $8.192000000e+03  }
0x1cc: {  	v17 =	vmin.f32 v17, $8.192000000e+03;
	v3 =	vmin.f32 v3, $8.192000000e+03;
	v4 =	vmin.f32 v4, $8.192000000e+03  }
0x1cd: {  	v5 =	vmin.f32 v5, $8.192000000e+03;
	v6 =	vmin.f32 v6, $8.192000000e+03;
	v7 =	vmin.f32 v7, $8.192000000e+03  }
0x1ce: {  	v8 =	vmin.f32 v8, $8.192000000e+03;
	v9 =	vmin.f32 v9, $8.192000000e+03;
	v2 =	vtrunc.f32 v2  }
0x1cf: {  	v10 =	vmin.f32 v10, $8.192000000e+03;
	v17 =	vtrunc.f32 v17;
	v3 =	vtrunc.f32 v3  }
0x1d0: {  	v11 =	vmin.f32 v11, $8.192000000e+03;
	v4 =	vtrunc.f32 v4;
	v5 =	vtrunc.f32 v5  }
0x1d1: {  	v12 =	vmin.f32 v12, $8.192000000e+03;
	v6 =	vtrunc.f32 v6;
	v7 =	vtrunc.f32 v7  }
0x1d2: {  	v13 =	vmin.f32 v13, $8.192000000e+03;
	v8 =	vtrunc.f32 v8;
	v9 =	vtrunc.f32 v9  }
0x1d3: {  	v14 =	vmin.f32 v14, $8.192000000e+03;
	v18 =	vtrunc.f32 v10;
	v11 =	vtrunc.f32 v11  }
0x1d4: {  	v10 =	vmin.f32 v15, $8.192000000e+03;
	v12 =	vtrunc.f32 v12;
	v13 =	vtrunc.f32 v13  }
0x1d5: {  	v15 =	vmin.f32 v16, $8.192000000e+03;
	v14 =	vtrunc.f32 v14;
	v2 =	vcvt.f32.s32 v2  }
0x1d6: {  	v20 =	vld [tilespmem:s31+$0xFFFFFF20];
	v31 =	vadd.f32 $1.258291200e+07, v31;
	v19 =	vtrunc.f32 v10;
	v15 =	vtrunc.f32 v15  }
0x1d7: {  	v26 =	vld [tilespmem:s31+$0xFFFFFF50];
	v30 =	vadd.f32 $1.258291200e+07, v30;
	v10 =	vcvt.f32.s32 v17;
	v3 =	vcvt.f32.s32 v3  }
0x1d8: {  	v28 =	vld [tilespmem:s31+$0xFFFFFF60];
	v61 =	vadd.f32 $-1.258291200e+07, v31;
	v21 =	vcvt.f32.s32 v4;
	v22 =	vcvt.f32.s32 v5  }
0x1d9: {  	v60 =	vadd.f32 $-1.258291200e+07, v30;
	v16 =	vld [tilespmem:s31+$0x0];
	v24 =	vcvt.f32.s32 v6;
	v25 =	vcvt.f32.s32 v7  }
0x1da: {  	v30 =	vmax.f32 v61, $-1.000000000e+00;
	v4 =	vld [tilespmem:s31+$0xFFFFFF40];
	v9 =	vcvt.f32.s32 v9;
	v7 =	vcvt.f32.s32 v11  }
0x1db: {  	v11 =	vadd.f32 $2.000000000e+00, v20;
	v6 =	vcvt.f32.s32 v12;
	v5 =	vcvt.f32.s32 v13;
	v13 =	vld [tilespmem:s31+$0xFFFFFF80]  }
0x1dc: {  	v20 =	vld [tilespmem:s31+$0xFFFFFFA0];
	v17 =	vadd.s32 $0x4028, v2;
	v23 =	vadd.s32 $0x4028, v10;
	v10 =	vcvt.f32.s32 v8  }
0x1dd: {  	v52 =	vld [tilespmem:s31+$0xFFFFFFB0];
	v27 =	vadd.s32 $0x4028, v3;
	v8 =	vcvt.f32.s32 v18;
	v11 =	vmul.f32 $2.048000000e+03, v11  }
0x1de: {  	v2 =	vld [tilespmem:s31+$0xFFFFFF30];
	v21 =	vadd.s32 $0x4028, v21;
	v58 =	vadd.s32 $0x4028, v22;
	v35 =	vadd.s32 $0x4028, v24  }
0x1df: {  	v59 =	vadd.s32 $0x4028, v25;
	v6 =	vadd.s32 $0x4028, v6;
	v3 =	vadd.f32 $2.000000000e+00, v16  }
0x1e0: {  	v5 =	vadd.s32 $0x4028, v5;
	v11 =	vadd.f32 $1.258291200e+07, v11;
	v4 =	vadd.f32 $2.000000000e+00, v4  }
0x1e1: {  	v13 =	vadd.f32 $2.000000000e+00, v13;
	v20 =	vadd.f32 $2.000000000e+00, v20;
	v18 =	vmul.f32 $2.048000000e+03, v3  }
0x1e2: {  	v16 =	vld [tilespmem:s31+$0xFFFFFF70];
	v3 =	vcvt.f32.s32 v19;
	v19 =	vadd.f32 $2.000000000e+00, v26;
	v26 =	vadd.f32 $2.000000000e+00, v28  }
0x1e3: {  	v28 =	vadd.f32 $2.000000000e+00, v52;
	v12 =	vadd.f32 $2.000000000e+00, v2;
	v2 =	vcvt.f32.s32 v14  }
0x1e4: {  	v11 =	vadd.f32 $-1.258291200e+07, v11;
	v4 =	vmul.f32 $2.048000000e+03, v4;
	v13 =	vmul.f32 $2.048000000e+03, v13;
	[tilespmem:v23+s13+$0x0] =	vst.idx.msk $0xffff, v1  }
0x1e5: {  	v20 =	vmul.f32 $2.048000000e+03, v20;
	[tilespmem:v27+s13+$0x0] =	vst.idx.msk $0xffff, v1;
	v27 =	vadd.s32 $0x4028, v10;
	v23 =	vadd.s32 $0x4028, v7  }
0x1e6: {  	v18 =	vadd.f32 $1.258291200e+07, v18;
	v19 =	vmul.f32 $2.048000000e+03, v19;
	v26 =	vmul.f32 $2.048000000e+03, v26  }
0x1e7: {  	v11 =	vmax.f32 v11, $-1.000000000e+00;
	v16 =	vadd.f32 $2.000000000e+00, v16;
	v34 =	vadd.f32 $1.258291200e+07, v4  }
0x1e8: {  	v12 =	vmul.f32 $2.048000000e+03, v12;
	v13 =	vadd.f32 $1.258291200e+07, v13;
	v20 =	vadd.f32 $1.258291200e+07, v20  }
0x1e9: {  	v14 =	vld [tilespmem:s31+$0xFFFFFF90];
	v4 =	vmul.f32 $2.048000000e+03, v28;
	v18 =	vadd.f32 $-1.258291200e+07, v18;
	v19 =	vadd.f32 $1.258291200e+07, v19  }
0x1ea: {  	v28 =	vmul.f32 $2.048000000e+03, v53;
	v26 =	vadd.f32 $1.258291200e+07, v26;
	v12 =	vadd.f32 $1.258291200e+07, v12  }
0x1eb: {  	v57 =	vadd.f32 $1.258291200e+07, v4;
	v4 =	vcvt.f32.s32 v15;
	v15 =	vadd.f32 $1.258291200e+07, v32  }
0x1ec: {  	v62 =	vmin.f32 v11, $8.192000000e+03;
	v28 =	vadd.f32 $1.258291200e+07, v28;
	v22 =	vadd.f32 $-1.258291200e+07, v34  }
0x1ed: {  	v11 =	vmin.f32 v30, $8.192000000e+03;
	v13 =	vadd.f32 $-1.258291200e+07, v13;
	v20 =	vadd.f32 $-1.258291200e+07, v20  }
0x1ee: {  	v16 =	vmul.f32 $2.048000000e+03, v16;
	v14 =	vadd.f32 $2.000000000e+00, v14;
	v19 =	vadd.f32 $-1.258291200e+07, v19  }
0x1ef: {  	v18 =	vmax.f32 v18, $-1.000000000e+00;
	v24 =	vadd.f32 $-1.258291200e+07, v26;
	v26 =	vadd.f32 $-1.258291200e+07, v29  }
0x1f0: {  	v29 =	vmax.f32 v60, $-1.000000000e+00;
	v18 =	vmin.f32 v18, $8.192000000e+03;
	v16 =	vadd.f32 $1.258291200e+07, v16  }
0x1f1: {  	v15 =	vadd.f32 $-1.258291200e+07, v15;
	v12 =	vadd.f32 $-1.258291200e+07, v12;
	v22 =	vmax.f32 v22, $-1.000000000e+00  }
0x1f2: {  	v25 =	vadd.f32 $-1.258291200e+07, v57;
	v28 =	vadd.f32 $-1.258291200e+07, v28;
	v13 =	vmax.f32 v13, $-1.000000000e+00  }
0x1f3: {  	v20 =	vmax.f32 v20, $-1.000000000e+00;
	v14 =	vmul.f32 $2.048000000e+03, v14;
	v18 =	vtrunc.f32 v18  }
0x1f4: {  	v19 =	vmax.f32 v19, $-1.000000000e+00;
	v24 =	vmax.f32 v24, $-1.000000000e+00;
	v26 =	vmax.f32 v26, $-1.000000000e+00  }
0x1f5: {  	v36 =	vmin.f32 v22, $8.192000000e+03;
	v13 =	vmin.f32 v13, $8.192000000e+03;
	v38 =	vmin.f32 v20, $8.192000000e+03  }
0x1f6: {  	v22 =	vtrunc.f32 v62;
	v18 =	vcvt.f32.s32 v18;
	v15 =	vmax.f32 v15, $-1.000000000e+00  }
0x1f7: {  	v16 =	vadd.f32 $-1.258291200e+07, v16;
	v12 =	vmax.f32 v12, $-1.000000000e+00;
	v25 =	vmax.f32 v25, $-1.000000000e+00  }
0x1f8: {  	v28 =	vmax.f32 v28, $-1.000000000e+00;
	v37 =	vmin.f32 v19, $8.192000000e+03;
	v24 =	vmin.f32 v24, $8.192000000e+03  }
0x1f9: {  	[tilespmem:v21+s13+$0x0] =	vst.idx.msk $0xffff, v1;
	v26 =	vmin.f32 v26, $8.192000000e+03;
	v21 =	vtrunc.f32 v36;
	v18 =	vadd.s32 $0x4028, v18  }
0x1fa: {  	v14 =	vadd.f32 $1.258291200e+07, v14;
	v15 =	vmin.f32 v15, $8.192000000e+03;
	v63 =	vmin.f32 v12, $8.192000000e+03  }
0x1fb: {  	[tilespmem:v17+s13+$0x0] =	vst.idx.msk $0xffff, v1;
	v39 =	vmin.f32 v25, $8.192000000e+03;
	v17 =	vtrunc.f32 v37;
	v25 =	vadd.s32 $0x4028, v9  }
0x1fc: {  	v16 =	vmax.f32 v16, $-1.000000000e+00;
	v20 =	vtrunc.f32 v15;
	v14 =	vadd.f32 $-1.258291200e+07, v14  }
0x1fd: {  	[tilespmem:v58+s13+$0x0] =	vst.idx.msk $0xffff, v1;
	v19 =	vtrunc.f32 v63;
	v15 =	vtrunc.f32 v26;
	v16 =	vmin.f32 v16, $8.192000000e+03  }
0x1fe: {  	v14 =	vmax.f32 v14, $-1.000000000e+00;
	[tilespmem:v18+s13+$0x0] =	vst.idx.msk $0xffff, v1;
	v18 =	vtrunc.f32 v24;
	v24 =	vadd.s32 $0x4028, v8  }
0x1ff: {  	[tilespmem:v35+s13+$0x0] =	vst.idx.msk $0xffff, v1;
	v10 =	vtrunc.f32 v16;
	v16 =	vtrunc.f32 v38;
	v14 =	vmin.f32 v14, $8.192000000e+03  }
0x200: {  	[tilespmem:v59+s13+$0x0] =	vst.idx.msk $0xffff, v1;
	v28 =	vmin.f32 v28, $8.192000000e+03;
	v8 =	vtrunc.f32 v13;
	v9 =	vtrunc.f32 v14  }
0x201: {  	s20 =	simm.s32 $0x82F0;
	s19 =	simm.s32 $0x10;
	[tilespmem:v27+s13+$0x0] =	vst.idx.msk $0xffff, v1;
	v12 =	vmin.f32 v29, $8.192000000e+03;
	v14 =	vtrunc.f32 v39;
	v13 =	vtrunc.f32 v28  }
.LBB2_10:
0x202: {  	v7 =	vld [tilespmem:s20+$0x0];
	s19 =	sadd.s32 $0x10, s19;
	v12 =	vtrunc.f32 v12;
	v11 =	vtrunc.f32 v11;
	[tilespmem:v25+s13+$0x0] =	vst.idx.msk $0xffff, v1;
	v2 =	vadd.s32 $0x4028, v2  }
0x203: {  	v20 =	vcvt.f32.s32 v20;
	v22 =	vcvt.f32.s32 v22;
	v3 =	vadd.s32 $0x4028, v3;
	v25 =	vld [tilespmem:s20+$0xFFFFFF20];
	p0 =	slt.u32 s19, $0x3F0;
	[tilespmem:v24+s13+$0x0] =	vst.idx.msk $0xffff, v1  }
0x204: {  	v19 =	vcvt.f32.s32 v19;
	v21 =	vcvt.f32.s32 v21;
	v4 =	vadd.s32 $0x4028, v4;
	v24 =	vld [tilespmem:s20+$0xFFFFFF30];
	[tilespmem:v23+s13+$0x0] =	vst.idx.msk $0xffff, v1  }
0x205: {  	v17 =	vcvt.f32.s32 v17;
	v18 =	vcvt.f32.s32 v18;
	v20 =	vadd.s32 $0x4028, v20;
	v23 =	vld [tilespmem:s20+$0xFFFFFF40];
	[tilespmem:v6+s13+$0x0] =	vst.idx.msk $0xffff, v1  }
0x206: {  	v10 =	vcvt.f32.s32 v10;
	v8 =	vcvt.f32.s32 v8;
	v22 =	vadd.s32 $0x4028, v22;
	v26 =	vld [tilespmem:s20+$0xFFFFFF50];
	[tilespmem:v5+s13+$0x0] =	vst.idx.msk $0xffff, v1  }
0x207: {  	v9 =	vcvt.f32.s32 v9;
	v6 =	vcvt.f32.s32 v16;
	v27 =	vld [tilespmem:s20+$0xFFFFFF60];
	v28 =	vadd.f32 $2.000000000e+00, v7;
	[tilespmem:v2+s13+$0x0] =	vst.idx.msk $0xffff, v1  }
0x208: {  	v5 =	vcvt.f32.s32 v15;
	v7 =	vcvt.f32.s32 v14;
	v16 =	vadd.f32 $2.000000000e+00, v25;
	v25 =	vld [tilespmem:s20+$0xFFFFFF70];
	[tilespmem:v3+s13+$0x0] =	vst.idx.msk $0xffff, v1  }
0x209: {  	v2 =	vcvt.f32.s32 v13;
	v14 =	vadd.f32 $2.000000000e+00, v24;
	v15 =	vld [tilespmem:s20+$0xFFFFFF80];
	v24 =	vmul.f32 $2.048000000e+03, v28;
	[tilespmem:v4+s13+$0x0] =	vst.idx.msk $0xffff, v1  }
0x20a: {  	v3 =	vcvt.f32.s32 v12;
	v4 =	vmul.f32 $2.048000000e+03, v16;
	v13 =	vadd.f32 $2.000000000e+00, v23;
	v16 =	vld [tilespmem:s20+$0xFFFFFF90];
	[tilespmem:v20+s13+$0x0] =	vst.idx.msk $0xffff, v1  }
0x20b: {  	v12 =	vmul.f32 $2.048000000e+03, v14;
	v14 =	vadd.f32 $2.000000000e+00, v26;
	v20 =	vld [tilespmem:s20+$0xFFFFFFA0];
	v23 =	vadd.f32 $1.258291200e+07, v24;
	[tilespmem:v22+s13+$0x0] =	vst.idx.msk $0xffff, v1  }
0x20c: {  	v22 =	vadd.f32 $1.258291200e+07, v4;
	v4 =	vmul.f32 $2.048000000e+03, v13;
	v13 =	vadd.f32 $2.000000000e+00, v27;
	v24 =	vld [tilespmem:s20+$0xFFFFFFB0]  }
0x20d: {  	v14 =	vmul.f32 $2.048000000e+03, v14;
	v25 =	vadd.f32 $2.000000000e+00, v25;
	v26 =	vld [tilespmem:s20+$0xFFFFFFC0];
	v23 =	vadd.f32 $-1.258291200e+07, v23  }
0x20e: {  	v12 =	vadd.f32 $1.258291200e+07, v12;
	v13 =	vmul.f32 $2.048000000e+03, v13;
	v15 =	vadd.f32 $2.000000000e+00, v15;
	v27 =	vld [tilespmem:s20+$0xFFFFFFD0]  }
0x20f: {  	v25 =	vmul.f32 $2.048000000e+03, v25;
	v16 =	vadd.f32 $2.000000000e+00, v16;
	v28 =	vld [tilespmem:s20+$0xFFFFFFE0];
	v23 =	vmax.f32 v23, $-1.000000000e+00  }
0x210: {  	v15 =	vmul.f32 $2.048000000e+03, v15;
	v20 =	vadd.f32 $2.000000000e+00, v20;
	v29 =	vld [tilespmem:s20+$0xFFFFFFF0];
	v23 =	vmin.f32 v23, $8.192000000e+03  }
0x211: {  	v30 =	vld [tilespmem:s20+$0xFFFFFF10];
	v16 =	vmul.f32 $2.048000000e+03, v16;
	v24 =	vadd.f32 $2.000000000e+00, v24;
	v23 =	vtrunc.f32 v23  }
0x212: {  	v20 =	vmul.f32 $2.048000000e+03, v20;
	v26 =	vadd.f32 $2.000000000e+00, v26;
	v23 =	vcvt.f32.s32 v23  }
0x213: {  	v31 =	vadd.f32 $1.258291200e+07, v4;
	v4 =	vmul.f32 $2.048000000e+03, v24;
	v24 =	vadd.f32 $2.000000000e+00, v27  }
0x214: {  	v26 =	vmul.f32 $2.048000000e+03, v26;
	v27 =	vadd.f32 $2.000000000e+00, v28;
	v23 =	vadd.s32 $0x4028, v23  }
0x215: {  	v14 =	vadd.f32 $1.258291200e+07, v14;
	v24 =	vmul.f32 $2.048000000e+03, v24;
	v28 =	vadd.f32 $2.000000000e+00, v29  }
0x216: {  	v13 =	vadd.f32 $1.258291200e+07, v13;
	v29 =	vadd.f32 $2.000000000e+00, v30;
	v27 =	vmul.f32 $2.048000000e+03, v27  }
0x217: {  	v25 =	vadd.f32 $1.258291200e+07, v25;
	v15 =	vadd.f32 $1.258291200e+07, v15;
	v28 =	vmul.f32 $2.048000000e+03, v28  }
0x218: {  	v16 =	vadd.f32 $1.258291200e+07, v16;
	v20 =	vadd.f32 $1.258291200e+07, v20;
	v29 =	vmul.f32 $2.048000000e+03, v29  }
0x219: {  	v30 =	vadd.f32 $1.258291200e+07, v4;
	v26 =	vadd.f32 $1.258291200e+07, v26;
	v4 =	vcvt.f32.s32 v11;
	[tilespmem:v23+s13+$0x0] =	vst.idx.msk $0xffff, v1  }
0x21a: {  	v19 =	vadd.s32 $0x4028, v19;
	v23 =	vadd.f32 $1.258291200e+07, v24;
	v11 =	vadd.f32 $1.258291200e+07, v29  }
0x21b: {  	v21 =	vadd.s32 $0x4028, v21;
	v24 =	vadd.f32 $1.258291200e+07, v27;
	v27 =	vadd.f32 $1.258291200e+07, v28  }
0x21c: {  	v17 =	vadd.s32 $0x4028, v17;
	v22 =	vadd.f32 $-1.258291200e+07, v22;
	v11 =	vadd.f32 $-1.258291200e+07, v11  }
0x21d: {  	v18 =	vadd.s32 $0x4028, v18;
	v12 =	vadd.f32 $-1.258291200e+07, v12;
	v28 =	vadd.f32 $-1.258291200e+07, v31  }
0x21e: {  	v14 =	vadd.f32 $-1.258291200e+07, v14;
	v13 =	vadd.f32 $-1.258291200e+07, v13;
	v11 =	vmax.f32 v11, $-1.000000000e+00  }
0x21f: {  	v22 =	vmax.f32 v22, $-1.000000000e+00;
	v25 =	vadd.f32 $-1.258291200e+07, v25;
	v15 =	vadd.f32 $-1.258291200e+07, v15;
	[tilespmem:v19+s13+$0x0] =	vst.idx.msk $0xffff, v1  }
0x220: {  	v12 =	vmax.f32 v12, $-1.000000000e+00;
	v16 =	vadd.f32 $-1.258291200e+07, v16;
	v19 =	vadd.f32 $-1.258291200e+07, v20;
	[tilespmem:v21+s13+$0x0] =	vst.idx.msk $0xffff, v1  }
0x221: {  	v26 =	vadd.f32 $-1.258291200e+07, v26;
	v20 =	vmax.f32 v28, $-1.000000000e+00;
	v21 =	vadd.f32 $-1.258291200e+07, v30;
	[tilespmem:v17+s13+$0x0] =	vst.idx.msk $0xffff, v1  }
0x222: {  	v14 =	vmax.f32 v14, $-1.000000000e+00;
	v17 =	vadd.f32 $-1.258291200e+07, v23;
	v23 =	vadd.f32 $-1.258291200e+07, v24;
	[tilespmem:v18+s13+$0x0] =	vst.idx.msk $0xffff, v1  }
0x223: {  	v13 =	vmax.f32 v13, $-1.000000000e+00;
	v24 =	vadd.f32 $-1.258291200e+07, v27;
	v18 =	vmax.f32 v25, $-1.000000000e+00  }
0x224: {  	v15 =	vmax.f32 v15, $-1.000000000e+00;
	v16 =	vmax.f32 v16, $-1.000000000e+00;
	v19 =	vmax.f32 v19, $-1.000000000e+00  }
0x225: {  	v21 =	vmax.f32 v21, $-1.000000000e+00;
	v25 =	vmax.f32 v26, $-1.000000000e+00;
	v17 =	vmax.f32 v17, $-1.000000000e+00  }
0x226: {  	v11 =	vmin.f32 v11, $8.192000000e+03;
	v23 =	vmax.f32 v23, $-1.000000000e+00;
	v24 =	vmax.f32 v24, $-1.000000000e+00  }
0x227: {  	v22 =	vmin.f32 v22, $8.192000000e+03;
	v27 =	vmin.f32 v20, $8.192000000e+03;
	v26 =	vmin.f32 v12, $8.192000000e+03  }
0x228: {  	v14 =	vmin.f32 v14, $8.192000000e+03;
	v13 =	vmin.f32 v13, $8.192000000e+03;
	v28 =	vmin.f32 v18, $8.192000000e+03  }
0x229: {  	v15 =	vmin.f32 v15, $8.192000000e+03;
	v16 =	vmin.f32 v16, $8.192000000e+03;
	v29 =	vmin.f32 v19, $8.192000000e+03  }
0x22a: {  	v30 =	vmin.f32 v21, $8.192000000e+03;
	v31 =	vmin.f32 v25, $8.192000000e+03;
	v32 =	vmin.f32 v17, $8.192000000e+03  }
0x22b: {  	v20 =	vtrunc.f32 v11;
	v12 =	vmin.f32 v23, $8.192000000e+03;
	v11 =	vmin.f32 v24, $8.192000000e+03  }
0x22c: {  	v22 =	vtrunc.f32 v22;
	v19 =	vtrunc.f32 v26;
	v26 =	vadd.s32 $0x4028, v10  }
.Ltmp4:
0x22d: {  	v21 =	vtrunc.f32 v27;
	v25 =	vadd.s32 $0x4028, v8;
	v17 =	vtrunc.f32 v14;
	(pc) =	sbr.rel @p0 .LBB2_10-.Ltmp4, $4  }
0x22e: {  	v18 =	vtrunc.f32 v13;
	v10 =	vtrunc.f32 v28;
	v24 =	vadd.s32 $0x4028, v9  }
0x22f: {  	v8 =	vtrunc.f32 v15;
	v9 =	vtrunc.f32 v16;
	v23 =	vadd.s32 $0x4028, v6  }
0x230: {  	v16 =	vtrunc.f32 v29;
	v14 =	vtrunc.f32 v30;
	v6 =	vadd.s32 $0x4028, v7  }
0x231: {  	v5 =	vadd.s32 $0x4028, v5;
	s20 =	sadd.s32 $0x100, s20;
	v15 =	vtrunc.f32 v31;
	v13 =	vtrunc.f32 v32;
	[tilespmem:v26+s13+$0x0] =	vst.idx.msk $0xffff, v1  }
0x232: {  	_ =	sdelay $0x3  }
0x233: {  	[tilespmem:v25+s13+$0x0] =	vst.idx.msk $0xffff, v1;
	v2 =	vadd.s32 $0x4028, v2  }
0x234: {  	v7 =	vcvt.f32.s32 v20;
	[tilespmem:v24+s13+$0x0] =	vst.idx.msk $0xffff, v1;
	v3 =	vadd.s32 $0x4028, v3  }
0x235: {  	v46 =	vcvt.f32.s32 v22;
	[tilespmem:v23+s13+$0x0] =	vst.idx.msk $0xffff, v1;
	v4 =	vadd.s32 $0x4028, v4  }
0x236: {  	[tilespmem:v6+s13+$0x0] =	vst.idx.msk $0xffff, v1;
	v48 =	vcvt.f32.s32 v17;
	v7 =	vadd.s32 $0x4028, v7  }
0x237: {  	v19 =	vcvt.f32.s32 v19;
	[tilespmem:v5+s13+$0x0] =	vst.idx.msk $0xffff, v1;
	v20 =	vadd.s32 $0x4028, v46  }
0x238: {  	v47 =	vcvt.f32.s32 v21;
	v51 =	vadd.s32 $0x4028, v48;
	[tilespmem:v2+s13+$0x0] =	vst.idx.msk $0xffff, v1  }
0x239: {  	v49 =	vcvt.f32.s32 v18;
	v2 =	vadd.s32 $0x4028, v19;
	[tilespmem:v3+s13+$0x0] =	vst.idx.msk $0xffff, v1  }
0x23a: {  	v50 =	vcvt.f32.s32 v10;
	v3 =	vadd.s32 $0x4028, v47;
	[tilespmem:v4+s13+$0x0] =	vst.idx.msk $0xffff, v1  }
0x23b: {  	v55 =	vcvt.f32.s32 v16;
	v53 =	vadd.s32 $0x4028, v49;
	[tilespmem:v7+s13+$0x0] =	vst.idx.msk $0xffff, v1  }
0x23c: {  	v52 =	vcvt.f32.s32 v8;
	v6 =	vadd.s32 $0x4028, v50;
	[tilespmem:v20+s13+$0x0] =	vst.idx.msk $0xffff, v1  }
0x23d: {  	v54 =	vcvt.f32.s32 v9;
	v58 =	vadd.s32 $0x4028, v55;
	[tilespmem:v51+s13+$0x0] =	vst.idx.msk $0xffff, v1  }
0x23e: {  	v56 =	vcvt.f32.s32 v14;
	[tilespmem:v2+s13+$0x0] =	vst.idx.msk $0xffff, v1;
	v2 =	vadd.s32 $0x4028, v52  }
0x23f: {  	v57 =	vcvt.f32.s32 v15;
	v61 =	vtrunc.f32 v11;
	[tilespmem:v3+s13+$0x0] =	vst.idx.msk $0xffff, v1;
	v3 =	vadd.s32 $0x4028, v54  }
0x240: {  	v5 =	vadd.s32 $0x4028, v56;
	[tilespmem:v53+s13+$0x0] =	vst.idx.msk $0xffff, v1;
	v7 =	vcvt.f32.s32 v61  }
0x241: {  	v59 =	vtrunc.f32 v12;
	v60 =	vcvt.f32.s32 v13;
	v62 =	vadd.s32 $0x4028, v57;
	[tilespmem:v6+s13+$0x0] =	vst.idx.msk $0xffff, v1  }
0x242: {  	v9 =	vcvt.f32.s32 v59;
	[tilespmem:v58+s13+$0x0] =	vst.idx.msk $0xffff, v1;
	v63 =	vadd.s32 $0x4028, v7  }
0x243: {  	[tilespmem:v2+s13+$0x0] =	vst.idx.msk $0xffff, v1;
	v2 =	vadd.s32 $0x4028, v60  }
0x244: {  	[tilespmem:v3+s13+$0x0] =	vst.idx.msk $0xffff, v1;
	v3 =	vadd.s32 $0x4028, v9  }
0x245: {  	[tilespmem:v5+s13+$0x0] =	vst.idx.msk $0xffff, v1  }
0x246: {  	[tilespmem:v62+s13+$0x0] =	vst.idx.msk $0xffff, v1  }
0x247: {  	[tilespmem:v63+s13+$0x0] =	vst.idx.msk $0xffff, v1  }
0x248: {  	[tilespmem:v2+s13+$0x0] =	vst.idx.msk $0xffff, v1  }
0x249: {  	[tilespmem:v3+s13+$0x0] =	vst.idx.msk $0xffff, v1  }
0x24a: {  	[hbm4b:s6+s2] =	stream.linear.scatter [tilespmem:s14], [sflag:$0x2], $0x2000, $0x38;
	[tilespmem:$0x12080] =	vst v63  }
0x24b: {  	_ =	swait.ge [sflag:s15], $0x2000  }
0x24c: {  	[sflag:s15] =	ssyncset.done $0x0  }
0x24d: {  	[sflag:s15] =	ssyncadd.s32 $0xFFFFE000  }
0x24e: {  	[hbm4b:s7+s2] =	stream.linear.scatter [tilespmem:s16], [sflag:$0x2], $0x2000, $0x38;
	[tilespmem:$0x12080] =	vst v63  }
0x24f: {  	s18 =	sadd.s32 $0x1, s18;
	_ =	swait.ge [sflag:s15], $0x2000  }
0x250: {  	p0 =	sne.s32 s18, s9;
	[sflag:s15] =	ssyncset.done $0x0  }
.Ltmp5:
0x251: {  	[sflag:s15] =	ssyncadd.s32 $0xFFFFE000;
	(pc) =	sbr.rel @p0 .LBB2_1-.Ltmp5, $4  }
0x252: {  	[hbm4b:s8+s2] =	stream.linear.scatter [tilespmem:s17], [sflag:$0x2], $0x2000, $0x38;
	[tilespmem:$0x12080] =	vst v63  }
0x253: {  	_ =	swait.ge [sflag:s15], $0x2000  }
0x254: {  	[sflag:s15] =	ssyncset.done $0x0  }
0x255: {  	[sflag:s15] =	ssyncadd.s32 $0xFFFFE000  }
0x256: {  	_ =	sfence.sel $0x180000  }
0x257: {  	[bflag:$0x0] =	sbarrier.arrive $0xFFFF  }
0x258: {  	p0 =	sne.s32 s1, $0x0;
	_ =	strace $0x90000047  }
0x259: {  	s0 =	sadd.s32 @!p0 $0x100000, s0;
	[bflag:$0x2] =	sbarrier.arrive $0xFFFF  }
0x25a: {  	[sflag:s0] =	ssyncadd.tile.s32 @!p0 $0x1;
	_ =	shalt  }
.Lfunc_end2:
_tile_overlayer_lowered:
.L_overlay_start_2:
0x25b: {  	(tag) =	ssettag $0x2  }
0x25c: {  	s0 =	rddreg [dreg:$0x0];
	s2 =	stileid.u32  }
0x25d: {  	s1 =	rddreg [dreg:$0x1];
	p0 =	sne.s32 s2, $0x0  }
0x25e: {  	s3 =	rddreg [dreg:$0x2];
	[bflag:$0x3] =	sbarrier.arrive $0xFFFF;
	s2 =	simm.s32 @!p0 $0x1C02  }
0x25f: {  	[timem:s3], [sflag:s2] =	dma.local @!p0 [hbm:s0], s1  }
0x260: {  	s0 =	simm.s32 @!p0 $0x2  }
0x261: {  	_ =	swait.ge @!p0 [sflag:s0], s1  }
0x262: {  	s1 =	ssub.s32 @!p0 $0x0, s1;
	[sflag:s0] =	ssyncset.done @!p0 $0x0  }
0x263: {  	[sflag:s0] =	ssyncadd.s32 @!p0 s1  }
0x264: {  	[bflag:$0x3] =	sbarrier.arrive $0xFFFF  }
0x265: {  	_ =	shalt  }

</sc_bundles>
